<compile_context>
chip_gen: v7x
topology: tpu7x:2x2x1
jax: 0.10.2.dev20260603
libtpu: 0.0.44.dev20260713+nightly
codegen_flags: <defaults>
</compile_context>

<pallas_src>
import functools

import jax
import jax.numpy as jnp
from jax import lax
from jax.experimental import pallas as pl
from jax.experimental.pallas import tpu as pltpu
from jax.experimental.pallas import tpu_sc as plsc

N_TABLES = 26
VOCAB = 100000
DIM = 64
BATCH = 4096
L = N_TABLES * BATCH

NC = 2
NS = 16
LANES = 16
NW = NC * NS
UNITS = N_TABLES * DIM
U_PER_W = UNITS // NW
LOG2_DIM = 6

C0 = 29952
C1 = 59904
P2LEN = 40064
TAIL = 32
TPAD = 128
P2BUF = P2LEN + TPAD


def _sc_lookup(wt, tail_wt, idx):
    mesh = plsc.VectorSubcoreMesh(core_axis_name="c", subcore_axis_name="s")

    @functools.partial(
        pl.kernel,
        mesh=mesh,
        out_type=jax.ShapeDtypeStruct((N_TABLES, DIM, BATCH), jnp.float32),
        scratch_types=[
            pltpu.VMEM((C0,), jnp.float32),
            pltpu.VMEM((C1 - C0,), jnp.float32),
            pltpu.VMEM((P2BUF,), jnp.float32),
            pltpu.VMEM((BATCH,), jnp.int32),
            pltpu.VMEM((BATCH,), jnp.float32),
            pltpu.VMEM((BATCH,), jnp.float32),
            pltpu.SemaphoreType.DMA,
            pltpu.SemaphoreType.DMA,
            pltpu.SemaphoreType.DMA,
            pltpu.SemaphoreType.DMA,
            pltpu.SemaphoreType.DMA,
        ],
        compiler_params=pltpu.CompilerParams(needs_layout_passes=False),
    )
    def k(wt_hbm, tail_hbm, idx_hbm, out_hbm,
          p0_v, p1_v, p2_v, idx_v, out0_v, out1_v, s0, s1, s2, so0, so1):
        wid = lax.axis_index("s") * NC + lax.axis_index("c")
        u0 = wid * U_PER_W
        u_end = u0 + U_PER_W
        p16 = lax.iota(jnp.int32, 16)

        def td(u):
            return lax.shift_right_logical(u, LOG2_DIM), u & (DIM - 1)

        def start_p0(u):
            t, d = td(u)
            pltpu.async_copy(wt_hbm.at[t, d, pl.ds(0, C0)], p0_v, s0)

        def start_p1(u):
            t, d = td(u)
            pltpu.async_copy(wt_hbm.at[t, d, pl.ds(C0, C1 - C0)], p1_v, s1)

        def start_p2(u):
            t, d = td(u)
            pltpu.async_copy(
                wt_hbm.at[t, d, pl.ds(C1, P2LEN)], p2_v.at[pl.ds(0, P2LEN)], s2)
            pltpu.async_copy(
                tail_hbm.at[t, d, :], p2_v.at[pl.ds(P2LEN, TPAD)], s2)

        def wait_p0():
            pltpu.make_async_copy(
                wt_hbm.at[0, 0, pl.ds(0, C0)], p0_v, s0).wait()

        def wait_p1():
            pltpu.make_async_copy(
                wt_hbm.at[0, 0, pl.ds(C0, C1 - C0)], p1_v, s1).wait()

        def wait_p2():
            pltpu.make_async_copy(
                wt_hbm.at[0, 0, pl.ds(C1, P2LEN)],
                p2_v.at[pl.ds(0, P2LEN)], s2).wait()
            pltpu.make_async_copy(
                tail_hbm.at[0, 0, :], p2_v.at[pl.ds(P2LEN, TPAD)], s2).wait()

        t0, _ = td(u0)
        pltpu.sync_copy(idx_hbm.at[pl.ds(t0 * BATCH, BATCH)], idx_v)
        start_p0(u0)
        start_p1(u0)
        start_p2(u0)

        def unit_step(u, out_v, so):
            t, d = td(u)

            @pl.when(jnp.logical_and(u != u0, d == 0))
            def _():
                pltpu.sync_copy(idx_hbm.at[pl.ds(t * BATCH, BATCH)], idx_v)

            @pl.when(u >= u0 + 2)
            def _():
                pltpu.make_async_copy(out_v, out_hbm.at[0, 0, :], so).wait()

            wait_p0()
            wait_p1()

            def gab(j, _):
                v = idx_v[pl.ds(j * LANES, LANES)]
                m0 = v < C0
                m01 = v < C1
                m1 = jnp.logical_xor(m01, m0)
                g0 = plsc.load_gather(p0_v, [v], mask=m0)
                g1 = plsc.load_gather(p1_v, [v - C0], mask=m1)
                sel = jnp.where(m0, g0, g1)
                out_v[pl.ds(j * LANES, LANES)] = jnp.where(m01, sel, 0.0)
                return 0

            lax.fori_loop(0, BATCH // LANES, gab, 0)

            @pl.when(u + 1 < u_end)
            def _():
                start_p0(u + 1)
                start_p1(u + 1)

            wait_p2()

            def gc(j, _):
                v = idx_v[pl.ds(j * LANES, LANES)]
                m = v >= C1
                g = plsc.load_gather(p2_v, [v - C1], mask=m)
                plsc.store_scatter(out_v, [j * LANES + p16], g, mask=m)
                return 0

            lax.fori_loop(0, BATCH // LANES, gc, 0)

            @pl.when(u + 1 < u_end)
            def _():
                start_p2(u + 1)

            pltpu.async_copy(out_v, out_hbm.at[t, d, :], so)

        def pair_body(p, _):
            u = u0 + 2 * p
            unit_step(u, out0_v, so0)
            unit_step(u + 1, out1_v, so1)
            return 0

        lax.fori_loop(0, U_PER_W // 2, pair_body, 0)

        pltpu.make_async_copy(out0_v, out_hbm.at[0, 0, :], so0).wait()
        pltpu.make_async_copy(out1_v, out_hbm.at[0, 0, :], so1).wait()

    return k(wt, tail_wt, idx)


def kernel(indices, offsets, W):
    del offsets
    wt = jnp.transpose(W, (0, 2, 1))
    tail_wt = jnp.pad(wt[:, :, VOCAB - TAIL:], ((0, 0), (0, 0), (0, TPAD - TAIL)))
    flat_idx = indices.astype(jnp.int32)
    out_t = _sc_lookup(wt, tail_wt, flat_idx)
    return jnp.transpose(out_t, (0, 2, 1))

# --- scband reference (transcript-rebuilt; emitter-appended) ---
"""Pipeline reference for scband-merged-emb-sgd-3410204033833 (READ-ONLY COPY).

The authoritative reference and input builder live on the scoring server;
editing this copy changes nothing except your own understanding.
"""

import jax, jax.numpy as jnp
import numpy as np

N_TABLES = 26
VOCAB = 100000
DIM = 64
BATCH = 4096


def setup_inputs(seed: int = 0) -> dict:
    key = jax.random.key(seed)
    k1, k2 = jax.random.split(key)
    L = N_TABLES * BATCH
    indices = jax.random.randint(k1, (L,), 0, VOCAB)
    offsets = jnp.arange(L, dtype=jnp.int32)
    # merged embedding tables: n_tables stacked tables of [vocab, dim]
    W = jax.random.normal(k2, (N_TABLES, VOCAB, DIM), dtype=jnp.float32) * 0.01
    return {"indices": indices, "offsets": offsets, "W": W}


def reference(indices, offsets, W):
    # Faithful MergedEmbeddingBag forward (mode='sum'):
    # indices is the concatenation over tables of per-bag indices;
    # offsets marks bag boundaries (here one index per bag).
    n_tables, vocab, dim = W.shape
    L = indices.shape[0]
    bags_per_table = L // n_tables
    # which merged table each index position belongs to
    table_id = jnp.arange(L) // bags_per_table
    flat_table = W.reshape(n_tables * vocab, dim)
    gathered = jnp.take(flat_table, indices + table_id * vocab, axis=0)
    # bag id for each index position from offsets (EmbeddingBag semantics)
    seg = jnp.searchsorted(offsets, jnp.arange(L), side="right") - 1
    pooled = jax.ops.segment_sum(gathered, seg, num_segments=L)
    # output: per-table pooled embeddings [n_tables, batch, dim]
    return pooled.reshape(n_tables, bags_per_table, dim)

if __name__ == "__main__":
    import jax
    _d = setup_inputs()
    print(jax.jit(kernel)(*tuple(_d.values())))

</pallas_src>

<mosaic_0001>
#map = affine_map<(d0, d1) -> (0, 0, 0)>
#map1 = affine_map<(d0, d1) -> (0)>
module attributes {stable_mosaic.version = 14 : i64} {
  func.func @k(%arg0: i32, %arg1: i32, %arg2: memref<26x64x100000xf32, #tpu.memory_space<hbm>>, %arg3: memref<26x64x128xf32, #tpu.memory_space<hbm>>, %arg4: memref<106496xi32, #tpu.memory_space<hbm>>, %arg5: memref<26x64x4096xf32, #tpu.memory_space<hbm>>, %arg6: memref<29952xf32, #tpu.memory_space<vmem>>, %arg7: memref<29952xf32, #tpu.memory_space<vmem>>, %arg8: memref<40192xf32, #tpu.memory_space<vmem>>, %arg9: memref<4096xi32, #tpu.memory_space<vmem>>, %arg10: memref<4096xf32, #tpu.memory_space<vmem>>, %arg11: memref<4096xf32, #tpu.memory_space<vmem>>, %arg12: memref<!tpu.dma_semaphore, #tpu.memory_space<semaphore_mem>>, %arg13: memref<!tpu.dma_semaphore, #tpu.memory_space<semaphore_mem>>, %arg14: memref<!tpu.dma_semaphore, #tpu.memory_space<semaphore_mem>>, %arg15: memref<!tpu.dma_semaphore, #tpu.memory_space<semaphore_mem>>, %arg16: memref<!tpu.dma_semaphore, #tpu.memory_space<semaphore_mem>>) attributes {dimension_semantics = [#tpu.dimension_semantics<core_parallel>, #tpu.dimension_semantics<subcore_parallel>], iteration_bounds = array<i64: 2, 16>, scalar_prefetch = 0 : i64, scratch_operands = 11 : i64, tpu.core_type = #tpu.core_type<sc_vector_subcore>, window_params = [{transform_indices = #map}, {transform_indices = #map}, {transform_indices = #map1}, {transform_indices = #map}]} {
    %mul3A = arith.constant 2 : i32
    %mul3A_0 = arith.muli %arg1, %mul3A : i32
    %add3A = arith.addi %mul3A_0, %arg0 : i32
    %mul3A_1 = arith.constant 52 : i32
    %mul3A_2 = arith.muli %add3A, %mul3A_1 : i32
    %add3A_3 = arith.constant 52 : i32
    %add3A_4 = arith.addi %mul3A_2, %add3A_3 : i32
    %iota3A = tpu.iota {dimensions = array<i32: 0>} : vector<16xi32>
    %shift_right_logical3A = arith.constant 6 : i32
    %shift_right_logical3A_5 = arith.shrui %mul3A_2, %shift_right_logical3A : i32
    %and3A = arith.constant 63 : i32
    %and3A_6 = arith.andi %mul3A_2, %and3A : i32
    %mul3A_7 = arith.constant 4096 : i32
    %mul3A_8 = arith.muli %shift_right_logical3A_5, %mul3A_7 : i32
    "tpu.region"() ({
      %run_scoped3A = tpu.sem_alloc : memref<!tpu.dma_semaphore, #tpu.memory_space<semaphore_mem>>
      %dma_start3A_73 = tpu.memref_slice %arg4[%mul3A_8] : memref<106496xi32, #tpu.memory_space<hbm>> -> memref<4096xi32, #tpu.memory_space<hbm>>
      %dma_start3A_74 = tpu.memref_slice %arg4[%mul3A_8] : memref<106496xi32, #tpu.memory_space<hbm>> -> memref<4096xi32, #tpu.memory_space<hbm>>
      tpu.enqueue_dma source(%dma_start3A_74 : memref<4096xi32, #tpu.memory_space<hbm>>) target(%arg9 : memref<4096xi32, #tpu.memory_space<vmem>>) target_semaphore(%run_scoped3A : memref<!tpu.dma_semaphore, #tpu.memory_space<semaphore_mem>>)
      %dma_wait3A_75 = tpu.memref_slice %arg4[%mul3A_8] : memref<106496xi32, #tpu.memory_space<hbm>> -> memref<4096xi32, #tpu.memory_space<hbm>>
      %dma_wait3A_76 = tpu.memref_slice %arg4[%mul3A_8] : memref<106496xi32, #tpu.memory_space<hbm>> -> memref<4096xi32, #tpu.memory_space<hbm>>
      tpu.wait_dma2 semaphore(%run_scoped3A : memref<!tpu.dma_semaphore, #tpu.memory_space<semaphore_mem>>) src(%dma_wait3A_76 : memref<4096xi32, #tpu.memory_space<hbm>>) dst(%arg9 : memref<4096xi32, #tpu.memory_space<vmem>>)
      tpu.yield
    }) : () -> ()
    %shift_right_logical3A_9 = arith.constant 6 : i32
    %shift_right_logical3A_10 = arith.shrui %mul3A_2, %shift_right_logical3A_9 : i32
    %and3A_11 = arith.constant 63 : i32
    %and3A_12 = arith.andi %mul3A_2, %and3A_11 : i32
    %dma_start3A = arith.constant 0 : i32
    %dma_start3A_13 = tpu.memref_slice %arg2[%shift_right_logical3A_10, %and3A_12, %dma_start3A] : memref<26x64x100000xf32, #tpu.memory_space<hbm>> -> memref<1x1x29952xf32, #tpu.memory_space<hbm>>
    %dma_start3A_14 = tpu.memref_squeeze %dma_start3A_13 : memref<1x1x29952xf32, #tpu.memory_space<hbm>> -> memref<29952xf32, #tpu.memory_space<hbm>>
    %dma_start3A_15 = arith.constant 0 : i32
    %dma_start3A_16 = tpu.memref_slice %arg2[%shift_right_logical3A_10, %and3A_12, %dma_start3A_15] : memref<26x64x100000xf32, #tpu.memory_space<hbm>> -> memref<1x1x29952xf32, #tpu.memory_space<hbm>>
    %dma_start3A_17 = tpu.memref_squeeze %dma_start3A_16 : memref<1x1x29952xf32, #tpu.memory_space<hbm>> -> memref<29952xf32, #tpu.memory_space<hbm>>
    tpu.enqueue_dma source(%dma_start3A_17 : memref<29952xf32, #tpu.memory_space<hbm>>) target(%arg6 : memref<29952xf32, #tpu.memory_space<vmem>>) target_semaphore(%arg12 : memref<!tpu.dma_semaphore, #tpu.memory_space<semaphore_mem>>)
    %shift_right_logical3A_18 = arith.constant 6 : i32
    %shift_right_logical3A_19 = arith.shrui %mul3A_2, %shift_right_logical3A_18 : i32
    %and3A_20 = arith.constant 63 : i32
    %and3A_21 = arith.andi %mul3A_2, %and3A_20 : i32
    %dma_start3A_22 = arith.constant 29952 : i32
    %dma_start3A_23 = tpu.memref_slice %arg2[%shift_right_logical3A_19, %and3A_21, %dma_start3A_22] : memref<26x64x100000xf32, #tpu.memory_space<hbm>> -> memref<1x1x29952xf32, #tpu.memory_space<hbm>>
    %dma_start3A_24 = tpu.memref_squeeze %dma_start3A_23 : memref<1x1x29952xf32, #tpu.memory_space<hbm>> -> memref<29952xf32, #tpu.memory_space<hbm>>
    %dma_start3A_25 = arith.constant 29952 : i32
    %dma_start3A_26 = tpu.memref_slice %arg2[%shift_right_logical3A_19, %and3A_21, %dma_start3A_25] : memref<26x64x100000xf32, #tpu.memory_space<hbm>> -> memref<1x1x29952xf32, #tpu.memory_space<hbm>>
    %dma_start3A_27 = tpu.memref_squeeze %dma_start3A_26 : memref<1x1x29952xf32, #tpu.memory_space<hbm>> -> memref<29952xf32, #tpu.memory_space<hbm>>
    tpu.enqueue_dma source(%dma_start3A_27 : memref<29952xf32, #tpu.memory_space<hbm>>) target(%arg7 : memref<29952xf32, #tpu.memory_space<vmem>>) target_semaphore(%arg13 : memref<!tpu.dma_semaphore, #tpu.memory_space<semaphore_mem>>)
    %shift_right_logical3A_28 = arith.constant 6 : i32
    %shift_right_logical3A_29 = arith.shrui %mul3A_2, %shift_right_logical3A_28 : i32
    %and3A_30 = arith.constant 63 : i32
    %and3A_31 = arith.andi %mul3A_2, %and3A_30 : i32
    %dma_start3A_32 = arith.constant 0 : i32
    %dma_start3A_33 = tpu.memref_slice %arg8[%dma_start3A_32] : memref<40192xf32, #tpu.memory_space<vmem>> -> memref<40064xf32, #tpu.memory_space<vmem>>
    %dma_start3A_34 = arith.constant 59904 : i32
    %dma_start3A_35 = tpu.memref_slice %arg2[%shift_right_logical3A_29, %and3A_31, %dma_start3A_34] : memref<26x64x100000xf32, #tpu.memory_space<hbm>> -> memref<1x1x40064xf32, #tpu.memory_space<hbm>>
    %dma_start3A_36 = tpu.memref_squeeze %dma_start3A_35 : memref<1x1x40064xf32, #tpu.memory_space<hbm>> -> memref<40064xf32, #tpu.memory_space<hbm>>
    %dma_start3A_37 = arith.constant 0 : i32
    %dma_start3A_38 = tpu.memref_slice %arg8[%dma_start3A_37] : memref<40192xf32, #tpu.memory_space<vmem>> -> memref<40064xf32, #tpu.memory_space<vmem>>
    %dma_start3A_39 = arith.constant 59904 : i32
    %dma_start3A_40 = tpu.memref_slice %arg2[%shift_right_logical3A_29, %and3A_31, %dma_start3A_39] : memref<26x64x100000xf32, #tpu.memory_space<hbm>> -> memref<1x1x40064xf32, #tpu.memory_space<hbm>>
    %dma_start3A_41 = tpu.memref_squeeze %dma_start3A_40 : memref<1x1x40064xf32, #tpu.memory_space<hbm>> -> memref<40064xf32, #tpu.memory_space<hbm>>
    tpu.enqueue_dma source(%dma_start3A_41 : memref<40064xf32, #tpu.memory_space<hbm>>) target(%dma_start3A_38 : memref<40064xf32, #tpu.memory_space<vmem>>) target_semaphore(%arg14 : memref<!tpu.dma_semaphore, #tpu.memory_space<semaphore_mem>>)
    %dma_start3A_42 = arith.constant 40064 : i32
    %dma_start3A_43 = tpu.memref_slice %arg8[%dma_start3A_42] : memref<40192xf32, #tpu.memory_space<vmem>> -> memref<128xf32, #tpu.memory_space<vmem>>
    %dma_start3A_44 = arith.constant 0 : i32
    %dma_start3A_45 = tpu.memref_slice %arg3[%shift_right_logical3A_29, %and3A_31, %dma_start3A_44] : memref<26x64x128xf32, #tpu.memory_space<hbm>> -> memref<1x1x128xf32, #tpu.memory_space<hbm>>
    %dma_start3A_46 = tpu.memref_squeeze %dma_start3A_45 : memref<1x1x128xf32, #tpu.memory_space<hbm>> -> memref<128xf32, #tpu.memory_space<hbm>>
    %dma_start3A_47 = arith.constant 40064 : i32
    %dma_start3A_48 = tpu.memref_slice %arg8[%dma_start3A_47] : memref<40192xf32, #tpu.memory_space<vmem>> -> memref<128xf32, #tpu.memory_space<vmem>>
    %dma_start3A_49 = arith.constant 0 : i32
    %dma_start3A_50 = tpu.memref_slice %arg3[%shift_right_logical3A_29, %and3A_31, %dma_start3A_49] : memref<26x64x128xf32, #tpu.memory_space<hbm>> -> memref<1x1x128xf32, #tpu.memory_space<hbm>>
    %dma_start3A_51 = tpu.memref_squeeze %dma_start3A_50 : memref<1x1x128xf32, #tpu.memory_space<hbm>> -> memref<128xf32, #tpu.memory_space<hbm>>
    tpu.enqueue_dma source(%dma_start3A_51 : memref<128xf32, #tpu.memory_space<hbm>>) target(%dma_start3A_48 : memref<128xf32, #tpu.memory_space<vmem>>) target_semaphore(%arg14 : memref<!tpu.dma_semaphore, #tpu.memory_space<semaphore_mem>>)
    %scan3A = arith.constant 0 : i32
    %scan3A_52 = arith.constant 0 : i32
    %scan3A_53 = arith.constant 26 : i32
    %scan3A_54 = arith.addi %scan3A_52, %scan3A_53 : i32
    %scan3A_55 = arith.constant 1 : i32
    %scan3A_56 = scf.for %scan3A_73 = %scan3A_52 to %scan3A_54 step %scan3A_55 iter_args(%scan3A_74 = %scan3A) -> (i32)  : i32 {
      %mul3A_75 = arith.constant 2 : i32
      %mul3A_76 = arith.muli %mul3A_75, %scan3A_73 : i32
      %add3A_77 = arith.addi %mul3A_2, %mul3A_76 : i32
      %shift_right_logical3A_78 = arith.constant 6 : i32
      %shift_right_logical3A_79 = arith.shrui %add3A_77, %shift_right_logical3A_78 : i32
      %and3A_80 = arith.constant 63 : i32
      %and3A_81 = arith.andi %add3A_77, %and3A_80 : i32
      %ne3A = arith.cmpi ne, %add3A_77, %mul3A_2 : i32
      %eq3A = arith.constant 0 : i32
      %eq3A_82 = arith.cmpi eq, %and3A_81, %eq3A : i32
      %and3A_83 = arith.andi %ne3A, %eq3A_82 : i1
      %convert_element_type3A = arith.extui %and3A_83 : i1 to i32
      %cond3A = arith.constant 0 : i32
      %cond3A_84 = arith.cmpi ne, %convert_element_type3A, %cond3A : i32
      scf.if %cond3A_84 {
        %mul3A_253 = arith.constant 4096 : i32
        %mul3A_254 = arith.muli %shift_right_logical3A_79, %mul3A_253 : i32
        "tpu.region"() ({
          %run_scoped3A = tpu.sem_alloc : memref<!tpu.dma_semaphore, #tpu.memory_space<semaphore_mem>>
          %dma_start3A_255 = tpu.memref_slice %arg4[%mul3A_254] : memref<106496xi32, #tpu.memory_space<hbm>> -> memref<4096xi32, #tpu.memory_space<hbm>>
          %dma_start3A_256 = tpu.memref_slice %arg4[%mul3A_254] : memref<106496xi32, #tpu.memory_space<hbm>> -> memref<4096xi32, #tpu.memory_space<hbm>>
          tpu.enqueue_dma source(%dma_start3A_256 : memref<4096xi32, #tpu.memory_space<hbm>>) target(%arg9 : memref<4096xi32, #tpu.memory_space<vmem>>) target_semaphore(%run_scoped3A : memref<!tpu.dma_semaphore, #tpu.memory_space<semaphore_mem>>)
          %dma_wait3A_257 = tpu.memref_slice %arg4[%mul3A_254] : memref<106496xi32, #tpu.memory_space<hbm>> -> memref<4096xi32, #tpu.memory_space<hbm>>
          %dma_wait3A_258 = tpu.memref_slice %arg4[%mul3A_254] : memref<106496xi32, #tpu.memory_space<hbm>> -> memref<4096xi32, #tpu.memory_space<hbm>>
          tpu.wait_dma2 semaphore(%run_scoped3A : memref<!tpu.dma_semaphore, #tpu.memory_space<semaphore_mem>>) src(%dma_wait3A_258 : memref<4096xi32, #tpu.memory_space<hbm>>) dst(%arg9 : memref<4096xi32, #tpu.memory_space<vmem>>)
          tpu.yield
        }) : () -> ()
      } else {
      }
      %add3A_85 = arith.constant 2 : i32
      %add3A_86 = arith.addi %mul3A_2, %add3A_85 : i32
      %ge3A = arith.cmpi sge, %add3A_77, %add3A_86 : i32
      %convert_element_type3A_87 = arith.extui %ge3A : i1 to i32
      %cond3A_88 = arith.constant 0 : i32
      %cond3A_89 = arith.cmpi ne, %convert_element_type3A_87, %cond3A_88 : i32
      scf.if %cond3A_89 {
        %dma_wait3A_253 = arith.constant 0 : i32
        %dma_wait3A_254 = arith.constant 0 : i32
        %dma_wait3A_255 = arith.constant 0 : i32
        %dma_wait3A_256 = tpu.memref_slice %arg5[%dma_wait3A_253, %dma_wait3A_254, %dma_wait3A_255] : memref<26x64x4096xf32, #tpu.memory_space<hbm>> -> memref<1x1x4096xf32, #tpu.memory_space<hbm>>
        %dma_wait3A_257 = tpu.memref_squeeze %dma_wait3A_256 : memref<1x1x4096xf32, #tpu.memory_space<hbm>> -> memref<4096xf32, #tpu.memory_space<hbm>>
        %dma_wait3A_258 = arith.constant 0 : i32
        %dma_wait3A_259 = tpu.memref_slice %arg5[%dma_wait3A_253, %dma_wait3A_254, %dma_wait3A_258] : memref<26x64x4096xf32, #tpu.memory_space<hbm>> -> memref<1x1x4096xf32, #tpu.memory_space<hbm>>
        %dma_wait3A_260 = tpu.memref_squeeze %dma_wait3A_259 : memref<1x1x4096xf32, #tpu.memory_space<hbm>> -> memref<4096xf32, #tpu.memory_space<hbm>>
        tpu.wait_dma2 semaphore(%arg15 : memref<!tpu.dma_semaphore, #tpu.memory_space<semaphore_mem>>) src(%arg10 : memref<4096xf32, #tpu.memory_space<vmem>>) dst(%dma_wait3A_260 : memref<4096xf32, #tpu.memory_space<hbm>>)
      } else {
      }
      %dma_wait3A_90 = arith.constant 0 : i32
      %dma_wait3A_91 = arith.constant 0 : i32
      %dma_wait3A_92 = arith.constant 0 : i32
      %dma_wait3A_93 = tpu.memref_slice %arg2[%dma_wait3A_90, %dma_wait3A_91, %dma_wait3A_92] : memref<26x64x100000xf32, #tpu.memory_space<hbm>> -> memref<1x1x29952xf32, #tpu.memory_space<hbm>>
      %dma_wait3A_94 = tpu.memref_squeeze %dma_wait3A_93 : memref<1x1x29952xf32, #tpu.memory_space<hbm>> -> memref<29952xf32, #tpu.memory_space<hbm>>
      %dma_wait3A_95 = arith.constant 0 : i32
      %dma_wait3A_96 = tpu.memref_slice %arg2[%dma_wait3A_90, %dma_wait3A_91, %dma_wait3A_95] : memref<26x64x100000xf32, #tpu.memory_space<hbm>> -> memref<1x1x29952xf32, #tpu.memory_space<hbm>>
      %dma_wait3A_97 = tpu.memref_squeeze %dma_wait3A_96 : memref<1x1x29952xf32, #tpu.memory_space<hbm>> -> memref<29952xf32, #tpu.memory_space<hbm>>
      tpu.wait_dma2 semaphore(%arg12 : memref<!tpu.dma_semaphore, #tpu.memory_space<semaphore_mem>>) src(%dma_wait3A_97 : memref<29952xf32, #tpu.memory_space<hbm>>) dst(%arg6 : memref<29952xf32, #tpu.memory_space<vmem>>)
      %dma_wait3A_98 = arith.constant 0 : i32
      %dma_wait3A_99 = arith.constant 0 : i32
      %dma_wait3A_100 = arith.constant 29952 : i32
      %dma_wait3A_101 = tpu.memref_slice %arg2[%dma_wait3A_98, %dma_wait3A_99, %dma_wait3A_100] : memref<26x64x100000xf32, #tpu.memory_space<hbm>> -> memref<1x1x29952xf32, #tpu.memory_space<hbm>>
      %dma_wait3A_102 = tpu.memref_squeeze %dma_wait3A_101 : memref<1x1x29952xf32, #tpu.memory_space<hbm>> -> memref<29952xf32, #tpu.memory_space<hbm>>
      %dma_wait3A_103 = arith.constant 29952 : i32
      %dma_wait3A_104 = tpu.memref_slice %arg2[%dma_wait3A_98, %dma_wait3A_99, %dma_wait3A_103] : memref<26x64x100000xf32, #tpu.memory_space<hbm>> -> memref<1x1x29952xf32, #tpu.memory_space<hbm>>
      %dma_wait3A_105 = tpu.memref_squeeze %dma_wait3A_104 : memref<1x1x29952xf32, #tpu.memory_space<hbm>> -> memref<29952xf32, #tpu.memory_space<hbm>>
      tpu.wait_dma2 semaphore(%arg13 : memref<!tpu.dma_semaphore, #tpu.memory_space<semaphore_mem>>) src(%dma_wait3A_105 : memref<29952xf32, #tpu.memory_space<hbm>>) dst(%arg7 : memref<29952xf32, #tpu.memory_space<vmem>>)
      %scan3A_106 = arith.constant 0 : i32
      %scan3A_107 = arith.constant 0 : i32
      %scan3A_108 = arith.constant 256 : i32
      %scan3A_109 = arith.addi %scan3A_107, %scan3A_108 : i32
      %scan3A_110 = arith.constant 1 : i32
      %scan3A_111 = scf.for %scan3A_253 = %scan3A_107 to %scan3A_109 step %scan3A_110 iter_args(%scan3A_254 = %scan3A_106) -> (i32)  : i32 {
        %mul3A_255 = arith.constant 16 : i32
        %mul3A_256 = arith.muli %scan3A_253, %mul3A_255 : i32
        %get3A = arith.index_cast %mul3A_256 : i32 to index
        %get3A_257 = tpu.vector_load %arg9[%get3A] {strides = array<i32>} : memref<4096xi32, #tpu.memory_space<vmem>>, vector<16xi32>,
        %lt3A_258 = arith.constant 29952 : i32
        %lt3A_259 = vector.broadcast %lt3A_258 : i32 to vector<16xi32>
        %lt3A_260 = arith.cmpi slt, %get3A_257, %lt3A_259 : vector<16xi32>
        %lt3A_261 = arith.constant 59904 : i32
        %lt3A_262 = vector.broadcast %lt3A_261 : i32 to vector<16xi32>
        %lt3A_263 = arith.cmpi slt, %get3A_257, %lt3A_262 : vector<16xi32>
        %xor3A = arith.xori %lt3A_263, %lt3A_260 : vector<16xi1>
        %gather3A = tpu.vector_load_idx %arg6[%get3A_257] masked %lt3A_260 : memref<29952xf32, #tpu.memory_space<vmem>>[vector<16xi32>], vector<16xf32>, vector<16xi1>
        %sub3A = arith.constant 29952 : i32
        %sub3A_264 = vector.broadcast %sub3A : i32 to vector<16xi32>
        %sub3A_265 = arith.subi %get3A_257, %sub3A_264 : vector<16xi32>
        %gather3A_266 = tpu.vector_load_idx %arg7[%sub3A_265] masked %xor3A : memref<29952xf32, #tpu.memory_space<vmem>>[vector<16xi32>], vector<16xf32>, vector<16xi1>
        %select_n3A = arith.select %lt3A_260, %gather3A, %gather3A_266 : vector<16xi1>, vector<16xf32>
        %jit3A = arith.constant 0.000000e+00 : f32
        %broadcast_in_dim3A = vector.broadcast %jit3A : f32 to vector<16xf32>
        %select_n3A_267 = arith.select %lt3A_263, %select_n3A, %broadcast_in_dim3A : vector<16xi1>, vector<16xf32>
        %mul3A_268 = arith.constant 16 : i32
        %mul3A_269 = arith.muli %scan3A_253, %mul3A_268 : i32
        %swap3A = arith.index_cast %mul3A_269 : i32 to index
        %swap3A_270 = tpu.vector_load %arg10[%swap3A] {strides = array<i32>} : memref<4096xf32, #tpu.memory_space<vmem>>, vector<16xf32>,
        tpu.vector_store %arg10[%swap3A], %select_n3A_267 {strides = array<i32>} : memref<4096xf32, #tpu.memory_space<vmem>>, vector<16xf32>,
        %scan3A_271 = arith.constant 0 : i32
        scf.yield %scan3A_271 : i32
      }
      %scan3A_112 = arith.constant 256 : i32
      %add3A_113 = arith.constant 1 : i32
      %add3A_114 = arith.addi %add3A_77, %add3A_113 : i32
      %lt3A = arith.cmpi slt, %add3A_114, %add3A_4 : i32
      %convert_element_type3A_115 = arith.extui %lt3A : i1 to i32
      %cond3A_116 = arith.constant 0 : i32
      %cond3A_117 = arith.cmpi ne, %convert_element_type3A_115, %cond3A_116 : i32
      scf.if %cond3A_117 {
        %add3A_253 = arith.constant 1 : i32
        %add3A_254 = arith.addi %add3A_77, %add3A_253 : i32
        %shift_right_logical3A_255 = arith.constant 6 : i32
        %shift_right_logical3A_256 = arith.shrui %add3A_254, %shift_right_logical3A_255 : i32
        %and3A_257 = arith.constant 63 : i32
        %and3A_258 = arith.andi %add3A_254, %and3A_257 : i32
        %dma_start3A_259 = arith.constant 0 : i32
        %dma_start3A_260 = tpu.memref_slice %arg2[%shift_right_logical3A_256, %and3A_258, %dma_start3A_259] : memref<26x64x100000xf32, #tpu.memory_space<hbm>> -> memref<1x1x29952xf32, #tpu.memory_space<hbm>>
        %dma_start3A_261 = tpu.memref_squeeze %dma_start3A_260 : memref<1x1x29952xf32, #tpu.memory_space<hbm>> -> memref<29952xf32, #tpu.memory_space<hbm>>
        %dma_start3A_262 = arith.constant 0 : i32
        %dma_start3A_263 = tpu.memref_slice %arg2[%shift_right_logical3A_256, %and3A_258, %dma_start3A_262] : memref<26x64x100000xf32, #tpu.memory_space<hbm>> -> memref<1x1x29952xf32, #tpu.memory_space<hbm>>
        %dma_start3A_264 = tpu.memref_squeeze %dma_start3A_263 : memref<1x1x29952xf32, #tpu.memory_space<hbm>> -> memref<29952xf32, #tpu.memory_space<hbm>>
        tpu.enqueue_dma source(%dma_start3A_264 : memref<29952xf32, #tpu.memory_space<hbm>>) target(%arg6 : memref<29952xf32, #tpu.memory_space<vmem>>) target_semaphore(%arg12 : memref<!tpu.dma_semaphore, #tpu.memory_space<semaphore_mem>>)
        %add3A_265 = arith.constant 1 : i32
        %add3A_266 = arith.addi %add3A_77, %add3A_265 : i32
        %shift_right_logical3A_267 = arith.constant 6 : i32
        %shift_right_logical3A_268 = arith.shrui %add3A_266, %shift_right_logical3A_267 : i32
        %and3A_269 = arith.constant 63 : i32
        %and3A_270 = arith.andi %add3A_266, %and3A_269 : i32
        %dma_start3A_271 = arith.constant 29952 : i32
        %dma_start3A_272 = tpu.memref_slice %arg2[%shift_right_logical3A_268, %and3A_270, %dma_start3A_271] : memref<26x64x100000xf32, #tpu.memory_space<hbm>> -> memref<1x1x29952xf32, #tpu.memory_space<hbm>>
        %dma_start3A_273 = tpu.memref_squeeze %dma_start3A_272 : memref<1x1x29952xf32, #tpu.memory_space<hbm>> -> memref<29952xf32, #tpu.memory_space<hbm>>
        %dma_start3A_274 = arith.constant 29952 : i32
        %dma_start3A_275 = tpu.memref_slice %arg2[%shift_right_logical3A_268, %and3A_270, %dma_start3A_274] : memref<26x64x100000xf32, #tpu.memory_space<hbm>> -> memref<1x1x29952xf32, #tpu.memory_space<hbm>>
        %dma_start3A_276 = tpu.memref_squeeze %dma_start3A_275 : memref<1x1x29952xf32, #tpu.memory_space<hbm>> -> memref<29952xf32, #tpu.memory_space<hbm>>
        tpu.enqueue_dma source(%dma_start3A_276 : memref<29952xf32, #tpu.memory_space<hbm>>) target(%arg7 : memref<29952xf32, #tpu.memory_space<vmem>>) target_semaphore(%arg13 : memref<!tpu.dma_semaphore, #tpu.memory_space<semaphore_mem>>)
      } else {
      }
      %dma_wait3A_118 = arith.constant 0 : i32
      %dma_wait3A_119 = arith.constant 0 : i32
      %dma_wait3A_120 = arith.constant 0 : i32
      %dma_wait3A_121 = tpu.memref_slice %arg8[%dma_wait3A_120] : memref<40192xf32, #tpu.memory_space<vmem>> -> memref<40064xf32, #tpu.memory_space<vmem>>
      %dma_wait3A_122 = arith.constant 59904 : i32
      %dma_wait3A_123 = tpu.memref_slice %arg2[%dma_wait3A_118, %dma_wait3A_119, %dma_wait3A_122] : memref<26x64x100000xf32, #tpu.memory_space<hbm>> -> memref<1x1x40064xf32, #tpu.memory_space<hbm>>
      %dma_wait3A_124 = tpu.memref_squeeze %dma_wait3A_123 : memref<1x1x40064xf32, #tpu.memory_space<hbm>> -> memref<40064xf32, #tpu.memory_space<hbm>>
      %dma_wait3A_125 = arith.constant 0 : i32
      %dma_wait3A_126 = tpu.memref_slice %arg8[%dma_wait3A_125] : memref<40192xf32, #tpu.memory_space<vmem>> -> memref<40064xf32, #tpu.memory_space<vmem>>
      %dma_wait3A_127 = arith.constant 59904 : i32
      %dma_wait3A_128 = tpu.memref_slice %arg2[%dma_wait3A_118, %dma_wait3A_119, %dma_wait3A_127] : memref<26x64x100000xf32, #tpu.memory_space<hbm>> -> memref<1x1x40064xf32, #tpu.memory_space<hbm>>
      %dma_wait3A_129 = tpu.memref_squeeze %dma_wait3A_128 : memref<1x1x40064xf32, #tpu.memory_space<hbm>> -> memref<40064xf32, #tpu.memory_space<hbm>>
      tpu.wait_dma2 semaphore(%arg14 : memref<!tpu.dma_semaphore, #tpu.memory_space<semaphore_mem>>) src(%dma_wait3A_129 : memref<40064xf32, #tpu.memory_space<hbm>>) dst(%dma_wait3A_126 : memref<40064xf32, #tpu.memory_space<vmem>>)
      %dma_wait3A_130 = arith.constant 0 : i32
      %dma_wait3A_131 = arith.constant 0 : i32
      %dma_wait3A_132 = arith.constant 40064 : i32
      %dma_wait3A_133 = tpu.memref_slice %arg8[%dma_wait3A_132] : memref<40192xf32, #tpu.memory_space<vmem>> -> memref<128xf32, #tpu.memory_space<vmem>>
      %dma_wait3A_134 = arith.constant 0 : i32
      %dma_wait3A_135 = tpu.memref_slice %arg3[%dma_wait3A_130, %dma_wait3A_131, %dma_wait3A_134] : memref<26x64x128xf32, #tpu.memory_space<hbm>> -> memref<1x1x128xf32, #tpu.memory_space<hbm>>
      %dma_wait3A_136 = tpu.memref_squeeze %dma_wait3A_135 : memref<1x1x128xf32, #tpu.memory_space<hbm>> -> memref<128xf32, #tpu.memory_space<hbm>>
      %dma_wait3A_137 = arith.constant 40064 : i32
      %dma_wait3A_138 = tpu.memref_slice %arg8[%dma_wait3A_137] : memref<40192xf32, #tpu.memory_space<vmem>> -> memref<128xf32, #tpu.memory_space<vmem>>
      %dma_wait3A_139 = arith.constant 0 : i32
      %dma_wait3A_140 = tpu.memref_slice %arg3[%dma_wait3A_130, %dma_wait3A_131, %dma_wait3A_139] : memref<26x64x128xf32, #tpu.memory_space<hbm>> -> memref<1x1x128xf32, #tpu.memory_space<hbm>>
      %dma_wait3A_141 = tpu.memref_squeeze %dma_wait3A_140 : memref<1x1x128xf32, #tpu.memory_space<hbm>> -> memref<128xf32, #tpu.memory_space<hbm>>
      tpu.wait_dma2 semaphore(%arg14 : memref<!tpu.dma_semaphore, #tpu.memory_space<semaphore_mem>>) src(%dma_wait3A_141 : memref<128xf32, #tpu.memory_space<hbm>>) dst(%dma_wait3A_138 : memref<128xf32, #tpu.memory_space<vmem>>)
      %scan3A_142 = arith.constant 0 : i32
      %scan3A_143 = arith.constant 0 : i32
      %scan3A_144 = arith.constant 256 : i32
      %scan3A_145 = arith.addi %scan3A_143, %scan3A_144 : i32
      %scan3A_146 = arith.constant 1 : i32
      %scan3A_147 = scf.for %scan3A_253 = %scan3A_143 to %scan3A_145 step %scan3A_146 iter_args(%scan3A_254 = %scan3A_142) -> (i32)  : i32 {
        %mul3A_255 = arith.constant 16 : i32
        %mul3A_256 = arith.muli %scan3A_253, %mul3A_255 : i32
        %get3A = arith.index_cast %mul3A_256 : i32 to index
        %get3A_257 = tpu.vector_load %arg9[%get3A] {strides = array<i32>} : memref<4096xi32, #tpu.memory_space<vmem>>, vector<16xi32>,
        %ge3A_258 = arith.constant 59904 : i32
        %ge3A_259 = vector.broadcast %ge3A_258 : i32 to vector<16xi32>
        %ge3A_260 = arith.cmpi sge, %get3A_257, %ge3A_259 : vector<16xi32>
        %sub3A = arith.constant 59904 : i32
        %sub3A_261 = vector.broadcast %sub3A : i32 to vector<16xi32>
        %sub3A_262 = arith.subi %get3A_257, %sub3A_261 : vector<16xi32>
        %gather3A = tpu.vector_load_idx %arg8[%sub3A_262] masked %ge3A_260 : memref<40192xf32, #tpu.memory_space<vmem>>[vector<16xi32>], vector<16xf32>, vector<16xi1>
        %mul3A_263 = arith.constant 16 : i32
        %mul3A_264 = arith.muli %scan3A_253, %mul3A_263 : i32
        %add3A_265 = vector.broadcast %mul3A_264 : i32 to vector<16xi32>
        %add3A_266 = arith.addi %add3A_265, %iota3A : vector<16xi32>
        tpu.vector_store_idx %arg10[%add3A_266], %gather3A masked %ge3A_260 : memref<4096xf32, #tpu.memory_space<vmem>>[vector<16xi32>], vector<16xf32>, vector<16xi1>
        %scan3A_267 = arith.constant 0 : i32
        scf.yield %scan3A_267 : i32
      }
      %scan3A_148 = arith.constant 256 : i32
      %add3A_149 = arith.constant 1 : i32
      %add3A_150 = arith.addi %add3A_77, %add3A_149 : i32
      %lt3A_151 = arith.cmpi slt, %add3A_150, %add3A_4 : i32
      %convert_element_type3A_152 = arith.extui %lt3A_151 : i1 to i32
      %cond3A_153 = arith.constant 0 : i32
      %cond3A_154 = arith.cmpi ne, %convert_element_type3A_152, %cond3A_153 : i32
      scf.if %cond3A_154 {
        %add3A_253 = arith.constant 1 : i32
        %add3A_254 = arith.addi %add3A_77, %add3A_253 : i32
        %shift_right_logical3A_255 = arith.constant 6 : i32
        %shift_right_logical3A_256 = arith.shrui %add3A_254, %shift_right_logical3A_255 : i32
        %and3A_257 = arith.constant 63 : i32
        %and3A_258 = arith.andi %add3A_254, %and3A_257 : i32
        %dma_start3A_259 = arith.constant 0 : i32
        %dma_start3A_260 = tpu.memref_slice %arg8[%dma_start3A_259] : memref<40192xf32, #tpu.memory_space<vmem>> -> memref<40064xf32, #tpu.memory_space<vmem>>
        %dma_start3A_261 = arith.constant 59904 : i32
        %dma_start3A_262 = tpu.memref_slice %arg2[%shift_right_logical3A_256, %and3A_258, %dma_start3A_261] : memref<26x64x100000xf32, #tpu.memory_space<hbm>> -> memref<1x1x40064xf32, #tpu.memory_space<hbm>>
        %dma_start3A_263 = tpu.memref_squeeze %dma_start3A_262 : memref<1x1x40064xf32, #tpu.memory_space<hbm>> -> memref<40064xf32, #tpu.memory_space<hbm>>
        %dma_start3A_264 = arith.constant 0 : i32
        %dma_start3A_265 = tpu.memref_slice %arg8[%dma_start3A_264] : memref<40192xf32, #tpu.memory_space<vmem>> -> memref<40064xf32, #tpu.memory_space<vmem>>
        %dma_start3A_266 = arith.constant 59904 : i32
        %dma_start3A_267 = tpu.memref_slice %arg2[%shift_right_logical3A_256, %and3A_258, %dma_start3A_266] : memref<26x64x100000xf32, #tpu.memory_space<hbm>> -> memref<1x1x40064xf32, #tpu.memory_space<hbm>>
        %dma_start3A_268 = tpu.memref_squeeze %dma_start3A_267 : memref<1x1x40064xf32, #tpu.memory_space<hbm>> -> memref<40064xf32, #tpu.memory_space<hbm>>
        tpu.enqueue_dma source(%dma_start3A_268 : memref<40064xf32, #tpu.memory_space<hbm>>) target(%dma_start3A_265 : memref<40064xf32, #tpu.memory_space<vmem>>) target_semaphore(%arg14 : memref<!tpu.dma_semaphore, #tpu.memory_space<semaphore_mem>>)
        %dma_start3A_269 = arith.constant 40064 : i32
        %dma_start3A_270 = tpu.memref_slice %arg8[%dma_start3A_269] : memref<40192xf32, #tpu.memory_space<vmem>> -> memref<128xf32, #tpu.memory_space<vmem>>
        %dma_start3A_271 = arith.constant 0 : i32
        %dma_start3A_272 = tpu.memref_slice %arg3[%shift_right_logical3A_256, %and3A_258, %dma_start3A_271] : memref<26x64x128xf32, #tpu.memory_space<hbm>> -> memref<1x1x128xf32, #tpu.memory_space<hbm>>
        %dma_start3A_273 = tpu.memref_squeeze %dma_start3A_272 : memref<1x1x128xf32, #tpu.memory_space<hbm>> -> memref<128xf32, #tpu.memory_space<hbm>>
        %dma_start3A_274 = arith.constant 40064 : i32
        %dma_start3A_275 = tpu.memref_slice %arg8[%dma_start3A_274] : memref<40192xf32, #tpu.memory_space<vmem>> -> memref<128xf32, #tpu.memory_space<vmem>>
        %dma_start3A_276 = arith.constant 0 : i32
        %dma_start3A_277 = tpu.memref_slice %arg3[%shift_right_logical3A_256, %and3A_258, %dma_start3A_276] : memref<26x64x128xf32, #tpu.memory_space<hbm>> -> memref<1x1x128xf32, #tpu.memory_space<hbm>>
        %dma_start3A_278 = tpu.memref_squeeze %dma_start3A_277 : memref<1x1x128xf32, #tpu.memory_space<hbm>> -> memref<128xf32, #tpu.memory_space<hbm>>
        tpu.enqueue_dma source(%dma_start3A_278 : memref<128xf32, #tpu.memory_space<hbm>>) target(%dma_start3A_275 : memref<128xf32, #tpu.memory_space<vmem>>) target_semaphore(%arg14 : memref<!tpu.dma_semaphore, #tpu.memory_space<semaphore_mem>>)
      } else {
      }
      %dma_start3A_155 = arith.constant 0 : i32
      %dma_start3A_156 = tpu.memref_slice %arg5[%shift_right_logical3A_79, %and3A_81, %dma_start3A_155] : memref<26x64x4096xf32, #tpu.memory_space<hbm>> -> memref<1x1x4096xf32, #tpu.memory_space<hbm>>
      %dma_start3A_157 = tpu.memref_squeeze %dma_start3A_156 : memref<1x1x4096xf32, #tpu.memory_space<hbm>> -> memref<4096xf32, #tpu.memory_space<hbm>>
      %dma_start3A_158 = arith.constant 0 : i32
      %dma_start3A_159 = tpu.memref_slice %arg5[%shift_right_logical3A_79, %and3A_81, %dma_start3A_158] : memref<26x64x4096xf32, #tpu.memory_space<hbm>> -> memref<1x1x4096xf32, #tpu.memory_space<hbm>>
      %dma_start3A_160 = tpu.memref_squeeze %dma_start3A_159 : memref<1x1x4096xf32, #tpu.memory_space<hbm>> -> memref<4096xf32, #tpu.memory_space<hbm>>
      tpu.enqueue_dma source(%arg10 : memref<4096xf32, #tpu.memory_space<vmem>>) target(%dma_start3A_160 : memref<4096xf32, #tpu.memory_space<hbm>>) target_semaphore(%arg15 : memref<!tpu.dma_semaphore, #tpu.memory_space<semaphore_mem>>)
      %add3A_161 = arith.constant 1 : i32
      %add3A_162 = arith.addi %add3A_77, %add3A_161 : i32
      %shift_right_logical3A_163 = arith.constant 6 : i32
      %shift_right_logical3A_164 = arith.shrui %add3A_162, %shift_right_logical3A_163 : i32
      %and3A_165 = arith.constant 63 : i32
      %and3A_166 = arith.andi %add3A_162, %and3A_165 : i32
      %ne3A_167 = arith.cmpi ne, %add3A_162, %mul3A_2 : i32
      %eq3A_168 = arith.constant 0 : i32
      %eq3A_169 = arith.cmpi eq, %and3A_166, %eq3A_168 : i32
      %and3A_170 = arith.andi %ne3A_167, %eq3A_169 : i1
      %convert_element_type3A_171 = arith.extui %and3A_170 : i1 to i32
      %cond3A_172 = arith.constant 0 : i32
      %cond3A_173 = arith.cmpi ne, %convert_element_type3A_171, %cond3A_172 : i32
      scf.if %cond3A_173 {
        %mul3A_253 = arith.constant 4096 : i32
        %mul3A_254 = arith.muli %shift_right_logical3A_164, %mul3A_253 : i32
        "tpu.region"() ({
          %run_scoped3A = tpu.sem_alloc : memref<!tpu.dma_semaphore, #tpu.memory_space<semaphore_mem>>
          %dma_start3A_255 = tpu.memref_slice %arg4[%mul3A_254] : memref<106496xi32, #tpu.memory_space<hbm>> -> memref<4096xi32, #tpu.memory_space<hbm>>
          %dma_start3A_256 = tpu.memref_slice %arg4[%mul3A_254] : memref<106496xi32, #tpu.memory_space<hbm>> -> memref<4096xi32, #tpu.memory_space<hbm>>
          tpu.enqueue_dma source(%dma_start3A_256 : memref<4096xi32, #tpu.memory_space<hbm>>) target(%arg9 : memref<4096xi32, #tpu.memory_space<vmem>>) target_semaphore(%run_scoped3A : memref<!tpu.dma_semaphore, #tpu.memory_space<semaphore_mem>>)
          %dma_wait3A_257 = tpu.memref_slice %arg4[%mul3A_254] : memref<106496xi32, #tpu.memory_space<hbm>> -> memref<4096xi32, #tpu.memory_space<hbm>>
          %dma_wait3A_258 = tpu.memref_slice %arg4[%mul3A_254] : memref<106496xi32, #tpu.memory_space<hbm>> -> memref<4096xi32, #tpu.memory_space<hbm>>
          tpu.wait_dma2 semaphore(%run_scoped3A : memref<!tpu.dma_semaphore, #tpu.memory_space<semaphore_mem>>) src(%dma_wait3A_258 : memref<4096xi32, #tpu.memory_space<hbm>>) dst(%arg9 : memref<4096xi32, #tpu.memory_space<vmem>>)
          tpu.yield
        }) : () -> ()
      } else {
      }
      %add3A_174 = arith.constant 2 : i32
      %add3A_175 = arith.addi %mul3A_2, %add3A_174 : i32
      %ge3A_176 = arith.cmpi sge, %add3A_162, %add3A_175 : i32
      %convert_element_type3A_177 = arith.extui %ge3A_176 : i1 to i32
      %cond3A_178 = arith.constant 0 : i32
      %cond3A_179 = arith.cmpi ne, %convert_element_type3A_177, %cond3A_178 : i32
      scf.if %cond3A_179 {
        %dma_wait3A_253 = arith.constant 0 : i32
        %dma_wait3A_254 = arith.constant 0 : i32
        %dma_wait3A_255 = arith.constant 0 : i32
        %dma_wait3A_256 = tpu.memref_slice %arg5[%dma_wait3A_253, %dma_wait3A_254, %dma_wait3A_255] : memref<26x64x4096xf32, #tpu.memory_space<hbm>> -> memref<1x1x4096xf32, #tpu.memory_space<hbm>>
        %dma_wait3A_257 = tpu.memref_squeeze %dma_wait3A_256 : memref<1x1x4096xf32, #tpu.memory_space<hbm>> -> memref<4096xf32, #tpu.memory_space<hbm>>
        %dma_wait3A_258 = arith.constant 0 : i32
        %dma_wait3A_259 = tpu.memref_slice %arg5[%dma_wait3A_253, %dma_wait3A_254, %dma_wait3A_258] : memref<26x64x4096xf32, #tpu.memory_space<hbm>> -> memref<1x1x4096xf32, #tpu.memory_space<hbm>>
        %dma_wait3A_260 = tpu.memref_squeeze %dma_wait3A_259 : memref<1x1x4096xf32, #tpu.memory_space<hbm>> -> memref<4096xf32, #tpu.memory_space<hbm>>
        tpu.wait_dma2 semaphore(%arg16 : memref<!tpu.dma_semaphore, #tpu.memory_space<semaphore_mem>>) src(%arg11 : memref<4096xf32, #tpu.memory_space<vmem>>) dst(%dma_wait3A_260 : memref<4096xf32, #tpu.memory_space<hbm>>)
      } else {
      }
      %dma_wait3A_180 = arith.constant 0 : i32
      %dma_wait3A_181 = arith.constant 0 : i32
      %dma_wait3A_182 = arith.constant 0 : i32
      %dma_wait3A_183 = tpu.memref_slice %arg2[%dma_wait3A_180, %dma_wait3A_181, %dma_wait3A_182] : memref<26x64x100000xf32, #tpu.memory_space<hbm>> -> memref<1x1x29952xf32, #tpu.memory_space<hbm>>
      %dma_wait3A_184 = tpu.memref_squeeze %dma_wait3A_183 : memref<1x1x29952xf32, #tpu.memory_space<hbm>> -> memref<29952xf32, #tpu.memory_space<hbm>>
      %dma_wait3A_185 = arith.constant 0 : i32
      %dma_wait3A_186 = tpu.memref_slice %arg2[%dma_wait3A_180, %dma_wait3A_181, %dma_wait3A_185] : memref<26x64x100000xf32, #tpu.memory_space<hbm>> -> memref<1x1x29952xf32, #tpu.memory_space<hbm>>
      %dma_wait3A_187 = tpu.memref_squeeze %dma_wait3A_186 : memref<1x1x29952xf32, #tpu.memory_space<hbm>> -> memref<29952xf32, #tpu.memory_space<hbm>>
      tpu.wait_dma2 semaphore(%arg12 : memref<!tpu.dma_semaphore, #tpu.memory_space<semaphore_mem>>) src(%dma_wait3A_187 : memref<29952xf32, #tpu.memory_space<hbm>>) dst(%arg6 : memref<29952xf32, #tpu.memory_space<vmem>>)
      %dma_wait3A_188 = arith.constant 0 : i32
      %dma_wait3A_189 = arith.constant 0 : i32
      %dma_wait3A_190 = arith.constant 29952 : i32
      %dma_wait3A_191 = tpu.memref_slice %arg2[%dma_wait3A_188, %dma_wait3A_189, %dma_wait3A_190] : memref<26x64x100000xf32, #tpu.memory_space<hbm>> -> memref<1x1x29952xf32, #tpu.memory_space<hbm>>
      %dma_wait3A_192 = tpu.memref_squeeze %dma_wait3A_191 : memref<1x1x29952xf32, #tpu.memory_space<hbm>> -> memref<29952xf32, #tpu.memory_space<hbm>>
      %dma_wait3A_193 = arith.constant 29952 : i32
      %dma_wait3A_194 = tpu.memref_slice %arg2[%dma_wait3A_188, %dma_wait3A_189, %dma_wait3A_193] : memref<26x64x100000xf32, #tpu.memory_space<hbm>> -> memref<1x1x29952xf32, #tpu.memory_space<hbm>>
      %dma_wait3A_195 = tpu.memref_squeeze %dma_wait3A_194 : memref<1x1x29952xf32, #tpu.memory_space<hbm>> -> memref<29952xf32, #tpu.memory_space<hbm>>
      tpu.wait_dma2 semaphore(%arg13 : memref<!tpu.dma_semaphore, #tpu.memory_space<semaphore_mem>>) src(%dma_wait3A_195 : memref<29952xf32, #tpu.memory_space<hbm>>) dst(%arg7 : memref<29952xf32, #tpu.memory_space<vmem>>)
      %scan3A_196 = arith.constant 0 : i32
      %scan3A_197 = arith.constant 0 : i32
      %scan3A_198 = arith.constant 256 : i32
      %scan3A_199 = arith.addi %scan3A_197, %scan3A_198 : i32
      %scan3A_200 = arith.constant 1 : i32
      %scan3A_201 = scf.for %scan3A_253 = %scan3A_197 to %scan3A_199 step %scan3A_200 iter_args(%scan3A_254 = %scan3A_196) -> (i32)  : i32 {
        %mul3A_255 = arith.constant 16 : i32
        %mul3A_256 = arith.muli %scan3A_253, %mul3A_255 : i32
        %get3A = arith.index_cast %mul3A_256 : i32 to index
        %get3A_257 = tpu.vector_load %arg9[%get3A] {strides = array<i32>} : memref<4096xi32, #tpu.memory_space<vmem>>, vector<16xi32>,
        %lt3A_258 = arith.constant 29952 : i32
        %lt3A_259 = vector.broadcast %lt3A_258 : i32 to vector<16xi32>
        %lt3A_260 = arith.cmpi slt, %get3A_257, %lt3A_259 : vector<16xi32>
        %lt3A_261 = arith.constant 59904 : i32
        %lt3A_262 = vector.broadcast %lt3A_261 : i32 to vector<16xi32>
        %lt3A_263 = arith.cmpi slt, %get3A_257, %lt3A_262 : vector<16xi32>
        %xor3A = arith.xori %lt3A_263, %lt3A_260 : vector<16xi1>
        %gather3A = tpu.vector_load_idx %arg6[%get3A_257] masked %lt3A_260 : memref<29952xf32, #tpu.memory_space<vmem>>[vector<16xi32>], vector<16xf32>, vector<16xi1>
        %sub3A = arith.constant 29952 : i32
        %sub3A_264 = vector.broadcast %sub3A : i32 to vector<16xi32>
        %sub3A_265 = arith.subi %get3A_257, %sub3A_264 : vector<16xi32>
        %gather3A_266 = tpu.vector_load_idx %arg7[%sub3A_265] masked %xor3A : memref<29952xf32, #tpu.memory_space<vmem>>[vector<16xi32>], vector<16xf32>, vector<16xi1>
        %select_n3A = arith.select %lt3A_260, %gather3A, %gather3A_266 : vector<16xi1>, vector<16xf32>
        %jit3A = arith.constant 0.000000e+00 : f32
        %broadcast_in_dim3A = vector.broadcast %jit3A : f32 to vector<16xf32>
        %select_n3A_267 = arith.select %lt3A_263, %select_n3A, %broadcast_in_dim3A : vector<16xi1>, vector<16xf32>
        %mul3A_268 = arith.constant 16 : i32
        %mul3A_269 = arith.muli %scan3A_253, %mul3A_268 : i32
        %swap3A = arith.index_cast %mul3A_269 : i32 to index
        %swap3A_270 = tpu.vector_load %arg11[%swap3A] {strides = array<i32>} : memref<4096xf32, #tpu.memory_space<vmem>>, vector<16xf32>,
        tpu.vector_store %arg11[%swap3A], %select_n3A_267 {strides = array<i32>} : memref<4096xf32, #tpu.memory_space<vmem>>, vector<16xf32>,
        %scan3A_271 = arith.constant 0 : i32
        scf.yield %scan3A_271 : i32
      }
      %scan3A_202 = arith.constant 256 : i32
      %add3A_203 = arith.constant 1 : i32
      %add3A_204 = arith.addi %add3A_162, %add3A_203 : i32
      %lt3A_205 = arith.cmpi slt, %add3A_204, %add3A_4 : i32
      %convert_element_type3A_206 = arith.extui %lt3A_205 : i1 to i32
      %cond3A_207 = arith.constant 0 : i32
      %cond3A_208 = arith.cmpi ne, %convert_element_type3A_206, %cond3A_207 : i32
      scf.if %cond3A_208 {
        %add3A_253 = arith.constant 1 : i32
        %add3A_254 = arith.addi %add3A_162, %add3A_253 : i32
        %shift_right_logical3A_255 = arith.constant 6 : i32
        %shift_right_logical3A_256 = arith.shrui %add3A_254, %shift_right_logical3A_255 : i32
        %and3A_257 = arith.constant 63 : i32
        %and3A_258 = arith.andi %add3A_254, %and3A_257 : i32
        %dma_start3A_259 = arith.constant 0 : i32
        %dma_start3A_260 = tpu.memref_slice %arg2[%shift_right_logical3A_256, %and3A_258, %dma_start3A_259] : memref<26x64x100000xf32, #tpu.memory_space<hbm>> -> memref<1x1x29952xf32, #tpu.memory_space<hbm>>
        %dma_start3A_261 = tpu.memref_squeeze %dma_start3A_260 : memref<1x1x29952xf32, #tpu.memory_space<hbm>> -> memref<29952xf32, #tpu.memory_space<hbm>>
        %dma_start3A_262 = arith.constant 0 : i32
        %dma_start3A_263 = tpu.memref_slice %arg2[%shift_right_logical3A_256, %and3A_258, %dma_start3A_262] : memref<26x64x100000xf32, #tpu.memory_space<hbm>> -> memref<1x1x29952xf32, #tpu.memory_space<hbm>>
        %dma_start3A_264 = tpu.memref_squeeze %dma_start3A_263 : memref<1x1x29952xf32, #tpu.memory_space<hbm>> -> memref<29952xf32, #tpu.memory_space<hbm>>
        tpu.enqueue_dma source(%dma_start3A_264 : memref<29952xf32, #tpu.memory_space<hbm>>) target(%arg6 : memref<29952xf32, #tpu.memory_space<vmem>>) target_semaphore(%arg12 : memref<!tpu.dma_semaphore, #tpu.memory_space<semaphore_mem>>)
        %add3A_265 = arith.constant 1 : i32
        %add3A_266 = arith.addi %add3A_162, %add3A_265 : i32
        %shift_right_logical3A_267 = arith.constant 6 : i32
        %shift_right_logical3A_268 = arith.shrui %add3A_266, %shift_right_logical3A_267 : i32
        %and3A_269 = arith.constant 63 : i32
        %and3A_270 = arith.andi %add3A_266, %and3A_269 : i32
        %dma_start3A_271 = arith.constant 29952 : i32
        %dma_start3A_272 = tpu.memref_slice %arg2[%shift_right_logical3A_268, %and3A_270, %dma_start3A_271] : memref<26x64x100000xf32, #tpu.memory_space<hbm>> -> memref<1x1x29952xf32, #tpu.memory_space<hbm>>
        %dma_start3A_273 = tpu.memref_squeeze %dma_start3A_272 : memref<1x1x29952xf32, #tpu.memory_space<hbm>> -> memref<29952xf32, #tpu.memory_space<hbm>>
        %dma_start3A_274 = arith.constant 29952 : i32
        %dma_start3A_275 = tpu.memref_slice %arg2[%shift_right_logical3A_268, %and3A_270, %dma_start3A_274] : memref<26x64x100000xf32, #tpu.memory_space<hbm>> -> memref<1x1x29952xf32, #tpu.memory_space<hbm>>
        %dma_start3A_276 = tpu.memref_squeeze %dma_start3A_275 : memref<1x1x29952xf32, #tpu.memory_space<hbm>> -> memref<29952xf32, #tpu.memory_space<hbm>>
        tpu.enqueue_dma source(%dma_start3A_276 : memref<29952xf32, #tpu.memory_space<hbm>>) target(%arg7 : memref<29952xf32, #tpu.memory_space<vmem>>) target_semaphore(%arg13 : memref<!tpu.dma_semaphore, #tpu.memory_space<semaphore_mem>>)
      } else {
      }
      %dma_wait3A_209 = arith.constant 0 : i32
      %dma_wait3A_210 = arith.constant 0 : i32
      %dma_wait3A_211 = arith.constant 0 : i32
      %dma_wait3A_212 = tpu.memref_slice %arg8[%dma_wait3A_211] : memref<40192xf32, #tpu.memory_space<vmem>> -> memref<40064xf32, #tpu.memory_space<vmem>>
      %dma_wait3A_213 = arith.constant 59904 : i32
      %dma_wait3A_214 = tpu.memref_slice %arg2[%dma_wait3A_209, %dma_wait3A_210, %dma_wait3A_213] : memref<26x64x100000xf32, #tpu.memory_space<hbm>> -> memref<1x1x40064xf32, #tpu.memory_space<hbm>>
      %dma_wait3A_215 = tpu.memref_squeeze %dma_wait3A_214 : memref<1x1x40064xf32, #tpu.memory_space<hbm>> -> memref<40064xf32, #tpu.memory_space<hbm>>
      %dma_wait3A_216 = arith.constant 0 : i32
      %dma_wait3A_217 = tpu.memref_slice %arg8[%dma_wait3A_216] : memref<40192xf32, #tpu.memory_space<vmem>> -> memref<40064xf32, #tpu.memory_space<vmem>>
      %dma_wait3A_218 = arith.constant 59904 : i32
      %dma_wait3A_219 = tpu.memref_slice %arg2[%dma_wait3A_209, %dma_wait3A_210, %dma_wait3A_218] : memref<26x64x100000xf32, #tpu.memory_space<hbm>> -> memref<1x1x40064xf32, #tpu.memory_space<hbm>>
      %dma_wait3A_220 = tpu.memref_squeeze %dma_wait3A_219 : memref<1x1x40064xf32, #tpu.memory_space<hbm>> -> memref<40064xf32, #tpu.memory_space<hbm>>
      tpu.wait_dma2 semaphore(%arg14 : memref<!tpu.dma_semaphore, #tpu.memory_space<semaphore_mem>>) src(%dma_wait3A_220 : memref<40064xf32, #tpu.memory_space<hbm>>) dst(%dma_wait3A_217 : memref<40064xf32, #tpu.memory_space<vmem>>)
      %dma_wait3A_221 = arith.constant 0 : i32
      %dma_wait3A_222 = arith.constant 0 : i32
      %dma_wait3A_223 = arith.constant 40064 : i32
      %dma_wait3A_224 = tpu.memref_slice %arg8[%dma_wait3A_223] : memref<40192xf32, #tpu.memory_space<vmem>> -> memref<128xf32, #tpu.memory_space<vmem>>
      %dma_wait3A_225 = arith.constant 0 : i32
      %dma_wait3A_226 = tpu.memref_slice %arg3[%dma_wait3A_221, %dma_wait3A_222, %dma_wait3A_225] : memref<26x64x128xf32, #tpu.memory_space<hbm>> -> memref<1x1x128xf32, #tpu.memory_space<hbm>>
      %dma_wait3A_227 = tpu.memref_squeeze %dma_wait3A_226 : memref<1x1x128xf32, #tpu.memory_space<hbm>> -> memref<128xf32, #tpu.memory_space<hbm>>
      %dma_wait3A_228 = arith.constant 40064 : i32
      %dma_wait3A_229 = tpu.memref_slice %arg8[%dma_wait3A_228] : memref<40192xf32, #tpu.memory_space<vmem>> -> memref<128xf32, #tpu.memory_space<vmem>>
      %dma_wait3A_230 = arith.constant 0 : i32
      %dma_wait3A_231 = tpu.memref_slice %arg3[%dma_wait3A_221, %dma_wait3A_222, %dma_wait3A_230] : memref<26x64x128xf32, #tpu.memory_space<hbm>> -> memref<1x1x128xf32, #tpu.memory_space<hbm>>
      %dma_wait3A_232 = tpu.memref_squeeze %dma_wait3A_231 : memref<1x1x128xf32, #tpu.memory_space<hbm>> -> memref<128xf32, #tpu.memory_space<hbm>>
      tpu.wait_dma2 semaphore(%arg14 : memref<!tpu.dma_semaphore, #tpu.memory_space<semaphore_mem>>) src(%dma_wait3A_232 : memref<128xf32, #tpu.memory_space<hbm>>) dst(%dma_wait3A_229 : memref<128xf32, #tpu.memory_space<vmem>>)
      %scan3A_233 = arith.constant 0 : i32
      %scan3A_234 = arith.constant 0 : i32
      %scan3A_235 = arith.constant 256 : i32
      %scan3A_236 = arith.addi %scan3A_234, %scan3A_235 : i32
      %scan3A_237 = arith.constant 1 : i32
      %scan3A_238 = scf.for %scan3A_253 = %scan3A_234 to %scan3A_236 step %scan3A_237 iter_args(%scan3A_254 = %scan3A_233) -> (i32)  : i32 {
        %mul3A_255 = arith.constant 16 : i32
        %mul3A_256 = arith.muli %scan3A_253, %mul3A_255 : i32
        %get3A = arith.index_cast %mul3A_256 : i32 to index
        %get3A_257 = tpu.vector_load %arg9[%get3A] {strides = array<i32>} : memref<4096xi32, #tpu.memory_space<vmem>>, vector<16xi32>,
        %ge3A_258 = arith.constant 59904 : i32
        %ge3A_259 = vector.broadcast %ge3A_258 : i32 to vector<16xi32>
        %ge3A_260 = arith.cmpi sge, %get3A_257, %ge3A_259 : vector<16xi32>
        %sub3A = arith.constant 59904 : i32
        %sub3A_261 = vector.broadcast %sub3A : i32 to vector<16xi32>
        %sub3A_262 = arith.subi %get3A_257, %sub3A_261 : vector<16xi32>
        %gather3A = tpu.vector_load_idx %arg8[%sub3A_262] masked %ge3A_260 : memref<40192xf32, #tpu.memory_space<vmem>>[vector<16xi32>], vector<16xf32>, vector<16xi1>
        %mul3A_263 = arith.constant 16 : i32
        %mul3A_264 = arith.muli %scan3A_253, %mul3A_263 : i32
        %add3A_265 = vector.broadcast %mul3A_264 : i32 to vector<16xi32>
        %add3A_266 = arith.addi %add3A_265, %iota3A : vector<16xi32>
        tpu.vector_store_idx %arg11[%add3A_266], %gather3A masked %ge3A_260 : memref<4096xf32, #tpu.memory_space<vmem>>[vector<16xi32>], vector<16xf32>, vector<16xi1>
        %scan3A_267 = arith.constant 0 : i32
        scf.yield %scan3A_267 : i32
      }
      %scan3A_239 = arith.constant 256 : i32
      %add3A_240 = arith.constant 1 : i32
      %add3A_241 = arith.addi %add3A_162, %add3A_240 : i32
      %lt3A_242 = arith.cmpi slt, %add3A_241, %add3A_4 : i32
      %convert_element_type3A_243 = arith.extui %lt3A_242 : i1 to i32
      %cond3A_244 = arith.constant 0 : i32
      %cond3A_245 = arith.cmpi ne, %convert_element_type3A_243, %cond3A_244 : i32
      scf.if %cond3A_245 {
        %add3A_253 = arith.constant 1 : i32
        %add3A_254 = arith.addi %add3A_162, %add3A_253 : i32
        %shift_right_logical3A_255 = arith.constant 6 : i32
        %shift_right_logical3A_256 = arith.shrui %add3A_254, %shift_right_logical3A_255 : i32
        %and3A_257 = arith.constant 63 : i32
        %and3A_258 = arith.andi %add3A_254, %and3A_257 : i32
        %dma_start3A_259 = arith.constant 0 : i32
        %dma_start3A_260 = tpu.memref_slice %arg8[%dma_start3A_259] : memref<40192xf32, #tpu.memory_space<vmem>> -> memref<40064xf32, #tpu.memory_space<vmem>>
        %dma_start3A_261 = arith.constant 59904 : i32
        %dma_start3A_262 = tpu.memref_slice %arg2[%shift_right_logical3A_256, %and3A_258, %dma_start3A_261] : memref<26x64x100000xf32, #tpu.memory_space<hbm>> -> memref<1x1x40064xf32, #tpu.memory_space<hbm>>
        %dma_start3A_263 = tpu.memref_squeeze %dma_start3A_262 : memref<1x1x40064xf32, #tpu.memory_space<hbm>> -> memref<40064xf32, #tpu.memory_space<hbm>>
        %dma_start3A_264 = arith.constant 0 : i32
        %dma_start3A_265 = tpu.memref_slice %arg8[%dma_start3A_264] : memref<40192xf32, #tpu.memory_space<vmem>> -> memref<40064xf32, #tpu.memory_space<vmem>>
        %dma_start3A_266 = arith.constant 59904 : i32
        %dma_start3A_267 = tpu.memref_slice %arg2[%shift_right_logical3A_256, %and3A_258, %dma_start3A_266] : memref<26x64x100000xf32, #tpu.memory_space<hbm>> -> memref<1x1x40064xf32, #tpu.memory_space<hbm>>
        %dma_start3A_268 = tpu.memref_squeeze %dma_start3A_267 : memref<1x1x40064xf32, #tpu.memory_space<hbm>> -> memref<40064xf32, #tpu.memory_space<hbm>>
        tpu.enqueue_dma source(%dma_start3A_268 : memref<40064xf32, #tpu.memory_space<hbm>>) target(%dma_start3A_265 : memref<40064xf32, #tpu.memory_space<vmem>>) target_semaphore(%arg14 : memref<!tpu.dma_semaphore, #tpu.memory_space<semaphore_mem>>)
        %dma_start3A_269 = arith.constant 40064 : i32
        %dma_start3A_270 = tpu.memref_slice %arg8[%dma_start3A_269] : memref<40192xf32, #tpu.memory_space<vmem>> -> memref<128xf32, #tpu.memory_space<vmem>>
        %dma_start3A_271 = arith.constant 0 : i32
        %dma_start3A_272 = tpu.memref_slice %arg3[%shift_right_logical3A_256, %and3A_258, %dma_start3A_271] : memref<26x64x128xf32, #tpu.memory_space<hbm>> -> memref<1x1x128xf32, #tpu.memory_space<hbm>>
        %dma_start3A_273 = tpu.memref_squeeze %dma_start3A_272 : memref<1x1x128xf32, #tpu.memory_space<hbm>> -> memref<128xf32, #tpu.memory_space<hbm>>
        %dma_start3A_274 = arith.constant 40064 : i32
        %dma_start3A_275 = tpu.memref_slice %arg8[%dma_start3A_274] : memref<40192xf32, #tpu.memory_space<vmem>> -> memref<128xf32, #tpu.memory_space<vmem>>
        %dma_start3A_276 = arith.constant 0 : i32
        %dma_start3A_277 = tpu.memref_slice %arg3[%shift_right_logical3A_256, %and3A_258, %dma_start3A_276] : memref<26x64x128xf32, #tpu.memory_space<hbm>> -> memref<1x1x128xf32, #tpu.memory_space<hbm>>
        %dma_start3A_278 = tpu.memref_squeeze %dma_start3A_277 : memref<1x1x128xf32, #tpu.memory_space<hbm>> -> memref<128xf32, #tpu.memory_space<hbm>>
        tpu.enqueue_dma source(%dma_start3A_278 : memref<128xf32, #tpu.memory_space<hbm>>) target(%dma_start3A_275 : memref<128xf32, #tpu.memory_space<vmem>>) target_semaphore(%arg14 : memref<!tpu.dma_semaphore, #tpu.memory_space<semaphore_mem>>)
      } else {
      }
      %dma_start3A_246 = arith.constant 0 : i32
      %dma_start3A_247 = tpu.memref_slice %arg5[%shift_right_logical3A_164, %and3A_166, %dma_start3A_246] : memref<26x64x4096xf32, #tpu.memory_space<hbm>> -> memref<1x1x4096xf32, #tpu.memory_space<hbm>>
      %dma_start3A_248 = tpu.memref_squeeze %dma_start3A_247 : memref<1x1x4096xf32, #tpu.memory_space<hbm>> -> memref<4096xf32, #tpu.memory_space<hbm>>
      %dma_start3A_249 = arith.constant 0 : i32
      %dma_start3A_250 = tpu.memref_slice %arg5[%shift_right_logical3A_164, %and3A_166, %dma_start3A_249] : memref<26x64x4096xf32, #tpu.memory_space<hbm>> -> memref<1x1x4096xf32, #tpu.memory_space<hbm>>
      %dma_start3A_251 = tpu.memref_squeeze %dma_start3A_250 : memref<1x1x4096xf32, #tpu.memory_space<hbm>> -> memref<4096xf32, #tpu.memory_space<hbm>>
      tpu.enqueue_dma source(%arg11 : memref<4096xf32, #tpu.memory_space<vmem>>) target(%dma_start3A_251 : memref<4096xf32, #tpu.memory_space<hbm>>) target_semaphore(%arg16 : memref<!tpu.dma_semaphore, #tpu.memory_space<semaphore_mem>>)
      %scan3A_252 = arith.constant 0 : i32
      scf.yield %scan3A_252 : i32
    }
    %scan3A_57 = arith.constant 26 : i32
    %dma_wait3A = arith.constant 0 : i32
    %dma_wait3A_58 = arith.constant 0 : i32
    %dma_wait3A_59 = arith.constant 0 : i32
    %dma_wait3A_60 = tpu.memref_slice %arg5[%dma_wait3A, %dma_wait3A_58, %dma_wait3A_59] : memref<26x64x4096xf32, #tpu.memory_space<hbm>> -> memref<1x1x4096xf32, #tpu.memory_space<hbm>>
    %dma_wait3A_61 = tpu.memref_squeeze %dma_wait3A_60 : memref<1x1x4096xf32, #tpu.memory_space<hbm>> -> memref<4096xf32, #tpu.memory_space<hbm>>
    %dma_wait3A_62 = arith.constant 0 : i32
    %dma_wait3A_63 = tpu.memref_slice %arg5[%dma_wait3A, %dma_wait3A_58, %dma_wait3A_62] : memref<26x64x4096xf32, #tpu.memory_space<hbm>> -> memref<1x1x4096xf32, #tpu.memory_space<hbm>>
    %dma_wait3A_64 = tpu.memref_squeeze %dma_wait3A_63 : memref<1x1x4096xf32, #tpu.memory_space<hbm>> -> memref<4096xf32, #tpu.memory_space<hbm>>
    tpu.wait_dma2 semaphore(%arg15 : memref<!tpu.dma_semaphore, #tpu.memory_space<semaphore_mem>>) src(%arg10 : memref<4096xf32, #tpu.memory_space<vmem>>) dst(%dma_wait3A_64 : memref<4096xf32, #tpu.memory_space<hbm>>)
    %dma_wait3A_65 = arith.constant 0 : i32
    %dma_wait3A_66 = arith.constant 0 : i32
    %dma_wait3A_67 = arith.constant 0 : i32
    %dma_wait3A_68 = tpu.memref_slice %arg5[%dma_wait3A_65, %dma_wait3A_66, %dma_wait3A_67] : memref<26x64x4096xf32, #tpu.memory_space<hbm>> -> memref<1x1x4096xf32, #tpu.memory_space<hbm>>
    %dma_wait3A_69 = tpu.memref_squeeze %dma_wait3A_68 : memref<1x1x4096xf32, #tpu.memory_space<hbm>> -> memref<4096xf32, #tpu.memory_space<hbm>>
    %dma_wait3A_70 = arith.constant 0 : i32
    %dma_wait3A_71 = tpu.memref_slice %arg5[%dma_wait3A_65, %dma_wait3A_66, %dma_wait3A_70] : memref<26x64x4096xf32, #tpu.memory_space<hbm>> -> memref<1x1x4096xf32, #tpu.memory_space<hbm>>
    %dma_wait3A_72 = tpu.memref_squeeze %dma_wait3A_71 : memref<1x1x4096xf32, #tpu.memory_space<hbm>> -> memref<4096xf32, #tpu.memory_space<hbm>>
    tpu.wait_dma2 semaphore(%arg16 : memref<!tpu.dma_semaphore, #tpu.memory_space<semaphore_mem>>) src(%arg11 : memref<4096xf32, #tpu.memory_space<vmem>>) dst(%dma_wait3A_72 : memref<4096xf32, #tpu.memory_space<hbm>>)
    return
  }
}

</mosaic_0001>

<sc_bundles>
// kernel: kernel.3.cloned.1.call-start
scs
__scs_entry_jumppad:
0x0: {  	(pc) =	sbr.rel $0x88, $3  }
0x1: {  	(tag) =	ssettag $0x0;
	lr =	simm.s32 $0x1  }
0x2: {  	[smem:$0x3F9F] =	sst lr;
	_ =	strace $0xD0000000  }
0x3: {  	_ = 	snop  }
0x4: {  	_ = 	snop  }
0x5: {  	_ = 	snop  }
0x6: {  	_ = 	snop  }
0x7: {  	_ = 	snop  }
__scs_overlays_trampoline_lowered:
0x8: {  	[smem:$0x3FAE] =	sst s0  }
0x9: {  	[smem:$0x3FAF] =	sst s1  }
0xa: {  	[smem:$0x3FB0] =	sst s2  }
0xb: {  	[smem:$0x3FB1] =	sst s3  }
0xc: {  	[smem:$0x3FB2] =	sst s4  }
0xd: {  	[smem:$0x3FB3] =	sst s5  }
0xe: {  	[smem:$0x3FB4] =	sst s6  }
0xf: {  	[smem:$0x3FB5] =	sst s7  }
0x10: {  	[smem:$0x3FB6] =	sst s8  }
0x11: {  	[smem:$0x3FB7] =	sst s9;
	s0 =	simm.s32 @!p0 $0x0  }
0x12: {  	s1 =	sld [smem:$0x3F9D];
	s0 =	simm.s32 @p0 $0x1  }
0x13: {  	[smem:$0x3FB8] =	sst s0;
	s0 =	simm.s32 @!p1 $0x0  }
0x14: {  	s2 =	sld [smem:$0x3F9C];
	s0 =	simm.s32 @p1 $0x1  }
0x15: {  	[smem:$0x3FB9] =	sst s0;
	s0 =	simm.s32 @!p2 $0x0  }
0x16: {  	s3 =	sld [smem:$0x3FDB];
	s0 =	simm.s32 @p2 $0x1  }
0x17: {  	s4 =	simm.s32 $0x1BF5;
	[smem:$0x3FBB] =	sst s0  }
0x18: {  	s0 =	sld [smem:$0x3F9E];
	_ =	swait.ge [sflag:s4], $0x0  }
0x19: {  	s7 =	sld [smem:$0x3F9F]  }
0x1a: {  	s8 =	sadd.s32 $0xFFFFE003, lr  }
0x1b: {  	s9 =	sadd.s32 $0xFFFFFEF7, lr;
	s5 =	simm.s32 $0xFFFFFFFF;
	p2 =	slt.u32 s8, $0xFFFFF086  }
0x1c: {  	p1 =	slt.u32 s9, $0xF7A;
	s5 =	simm.s32 @!p2 $0x0  }
0x1d: {  	s5 =	simm.s32 @p1 $0x1;
	p0 =	seq.s32 s7, s2  }
0x1e: {  	s7 =	smul.u32 @!p0 $0xF7A, s2;
	p2 =	seq.s32 @!p0 s5, $0x0  }
0x1f: {  	s9 =	smul.u32 $0xF7A, s1;
	s8 =	simm.s32 @!p0 $0x1BF5;
	p2 =	por !p2, p0  }
0x20: {  	[sflag:s8] =	ssyncset.s32 @!p0 $0xFFFFF086;
	s6 =	sadd.s32 @!p0 s3, s7;
	s7 =	simm.s32 @!p0 $0x108  }
0x21: {  	s3 =	sadd.s32 s3, s9;
	s6 =	sadd.s32 @!p0 $0x88, s6;
	s7 =	simm.s32 @p2 $0x1082  }
0x22: {  	[simem:s7], [sflag:s8] =	dma.local @!p0 [hbm:s6], $0xF7A  }
0x23: {  	s9 =	sor.u32 $0xD0000000, s2;
	s6 =	simm.s32 $0x108;
	_ =	swait.ge @!p0 [sflag:s8], $0x0  }
0x24: {  	s3 =	sadd.s32 $0x88, s3;
	s6 =	simm.s32 @!p1 $0x1082;
	[sflag:s4] =	ssyncset.s32 $0xFFFFF086  }
0x25: {  	[simem:s6], [sflag:s4] =	dma.local [hbm:s3], $0xF7A  }
0x26: {  	[smem:$0x3F9F] =	sst s1;
	(tag) =	ssettag s2;
	_ =	strace s9  }
0x27: {  	s1 =	sld [smem:$0x3FAF]  }
0x28: {  	s2 =	sld [smem:$0x3FB0]  }
0x29: {  	s4 =	sld [smem:$0x3FB2]  }
0x2a: {  	p0 =	seq.s32 s5, $0x0;
	s5 =	sld [smem:$0x3FB3]  }
0x2b: {  	s6 =	sld [smem:$0x3FB4]  }
0x2c: {  	s7 =	sld [smem:$0x3FB5]  }
0x2d: {  	s3 =	simm.s32 $0x108;
	s8 =	sld [smem:$0x3FB6]  }
0x2e: {  	s3 =	simm.s32 @!p0 $0x1082;
	s9 =	sld [smem:$0x3FB7]  }
0x2f: {  	lr =	sadd.s32 s0, s3;
	s0 =	sld [smem:$0x3FAE]  }
0x30: {  	s3 =	sld [smem:$0x3FB1]  }
0x31: {  	[smem:$0x3FBA] =	sst s10  }
0x32: {  	s10 =	sld [smem:$0x3FB8];
	_ =	sdelay $0x3  }
0x33: {  	p0 =	seq.s32 s10, $0x1;
	s10 =	sld [smem:$0x3FBA];
	_ =	sdelay $0x3  }
0x34: {  	[smem:$0x3FBA] =	sst s10  }
0x35: {  	s10 =	sld [smem:$0x3FB9];
	_ =	sdelay $0x3  }
0x36: {  	p1 =	seq.s32 s10, $0x1;
	s10 =	sld [smem:$0x3FBA];
	_ =	sdelay $0x3  }
0x37: {  	[smem:$0x3FBA] =	sst s10  }
0x38: {  	s10 =	sld [smem:$0x3FBB]  }
0x39: {  	_ = 	snop;
	(pc) =	sbr.ind lr, $3  }
0x3a: {  	_ = 	snop  }
0x3b: {  	_ = 	snop  }
0x3c: {  	p2 =	seq.s32 s10, $0x1;
	s10 =	sld [smem:$0x3FBA]  }
0x3d: {  	_ =	shalt  }
0x3e: {  	_ =	shalt  }
0x3f: {  	_ =	shalt  }
0x40: {  	_ =	shalt  }
0x41: {  	_ =	shalt  }
0x42: {  	_ =	shalt  }
0x43: {  	_ =	shalt  }
0x44: {  	_ =	shalt  }
0x45: {  	_ =	shalt  }
0x46: {  	_ =	shalt  }
0x47: {  	_ =	shalt  }
0x48: {  	_ =	shalt  }
0x49: {  	_ =	shalt  }
0x4a: {  	_ =	shalt  }
0x4b: {  	_ =	shalt  }
0x4c: {  	_ =	shalt  }
0x4d: {  	_ =	shalt  }
0x4e: {  	_ =	shalt  }
0x4f: {  	_ =	shalt  }
0x50: {  	_ =	shalt  }
0x51: {  	_ =	shalt  }
0x52: {  	_ =	shalt  }
0x53: {  	_ =	shalt  }
0x54: {  	_ =	shalt  }
0x55: {  	_ =	shalt  }
0x56: {  	_ =	shalt  }
0x57: {  	_ =	shalt  }
0x58: {  	_ =	shalt  }
0x59: {  	_ =	shalt  }
0x5a: {  	_ =	shalt  }
0x5b: {  	_ =	shalt  }
0x5c: {  	_ =	shalt  }
0x5d: {  	_ =	shalt  }
0x5e: {  	_ =	shalt  }
0x5f: {  	_ =	shalt  }
0x60: {  	_ =	shalt  }
0x61: {  	_ =	shalt  }
0x62: {  	_ =	shalt  }
0x63: {  	_ =	shalt  }
0x64: {  	_ =	shalt  }
0x65: {  	_ =	shalt  }
0x66: {  	_ =	shalt  }
0x67: {  	_ =	shalt  }
0x68: {  	_ =	shalt  }
0x69: {  	_ =	shalt  }
0x6a: {  	_ =	shalt  }
0x6b: {  	_ =	shalt  }
0x6c: {  	_ =	shalt  }
0x6d: {  	_ =	shalt  }
0x6e: {  	_ =	shalt  }
0x6f: {  	_ =	shalt  }
0x70: {  	_ =	shalt  }
0x71: {  	_ =	shalt  }
0x72: {  	_ =	shalt  }
0x73: {  	_ =	shalt  }
0x74: {  	_ =	shalt  }
0x75: {  	_ =	shalt  }
0x76: {  	_ =	shalt  }
0x77: {  	_ =	shalt  }
0x78: {  	_ =	shalt  }
0x79: {  	_ =	shalt  }
0x7a: {  	_ =	shalt  }
0x7b: {  	_ =	shalt  }
0x7c: {  	_ =	shalt  }
0x7d: {  	_ =	shalt  }
0x7e: {  	_ =	shalt  }
0x7f: {  	_ =	shalt  }
0x80: {  	_ =	shalt  }
0x81: {  	_ =	shalt  }
0x82: {  	_ =	shalt  }
0x83: {  	_ =	shalt  }
0x84: {  	_ =	shalt  }
0x85: {  	_ =	shalt  }
0x86: {  	_ =	shalt  }
0x87: {  	_ =	shalt  }
.Lfunc_end0:
.L_simem_size_0:
called_computation_lowered:
.L_overlay_start_0:
0x88: {  	s2 =	sld [smem:$0x3FD9]  }
0x89: {  	s3 =	sld [smem:$0x3FFE];
	_ =	sdelay $0x1  }
0x8a: {  	s1 =	srdreg.scid  }
0x8b: {  	s0 =	sand.u32 $0x1, s1  }
0x8c: {  	s17 =	sshll.u32 s0, $0xA;
	s2 =	sadd.s32 s3, s2  }
0x8d: {  	s2 =	sadd.s32 s2, s17  }
0x8e: {  	[smem:$0x3FC6] =	sst s2  }
0x8f: {  	_ = 	snop  }
0x90: {  	s2 =	sld [smem:$0x3FC9]  }
0x91: {  	s18 =	sld [smem:$0x3FC8]  }
0x92: {  	s4 =	sld [smem:$0x3FD0];
	(tm) =	ssettm $0x1  }
0x93: {  	s5 =	sld [smem:$0x3FFB];
	_ =	sdelay $0x3  }
0x94: {  	_ =	strace s5  }
0x95: {  	s5 =	sld [smem:$0x3FFC];
	_ =	sdelay $0x3  }
0x96: {  	_ =	strace s5  }
0x97: {  	s5 =	sld [smem:$0x3FFD];
	_ =	sdelay $0x3  }
0x98: {  	_ =	strace s5  }
0x99: {  	_ =	strace $0x8FFFFFFF  }
0x9a: {  	s19 =	sld [smem:$0x3FDB];
	_ =	sdelay $0x1  }
0x9b: {  	s6 =	simm.s32 $_scs_section_size  }
0x9c: {  	s7 =	simm.s32 $_size__tile_overlayer_lowered;
	s8 =	simm.s32 $_tile_overlayer_lowered  }
0x9d: {  	s22 =	simm.s32 $0x1BFF;
	s21 =	sshll.u32 s8, $0x1;
	s5 =	sadd.s32 s6, s19  }
0x9e: {  	s9 =	simm.s32 $0x0;
	s20 =	sshll.u32 s7, $0x1;
	s7 =	sadd.s32 s21, s5  }
0x9f: {  	[timem:s9], [sflag:s22] =	dma.local [hbm:s7], s20  }
0xa0: {  	_ =	swait.ge [sflag:s22], s20  }
0xa1: {  	s6 =	ssub.s32 $0x0, s20;
	[sflag:s22] =	ssyncset.done $0x0  }
0xa2: {  	[sflag:s22] =	ssyncadd.s32 s6;
	_ =	sdelay $0x1  }
0xa3: {  	s23 =	simm.s32 $0x1B8B  }
0xa4: {  	_ =	swait.ge [sflag:s23], $0x1  }
0xa5: {  	[sflag:s23] =	ssyncset.done $0x0  }
0xa6: {  	s25 =	simm.s32 $0x1B8E;
	s24 =	sld [smem:$0x3FFE];
	[sflag:s23] =	ssyncadd.s32 $0xFFFFFFFF  }
0xa7: {  	s26 =	simm.s32 $execute0_lowered;
	[smem:$0x3FD2] =	sst s25  }
0xa8: {  	s7 =	sshll.u32 s26, $0x1;
	_ =	strace $0x80000046;
	[dreg:$0x1] =	wrdreg $0xFFFFFFFF  }
0xa9: {  	s28 =	simm.s32 $_size_execute0_lowered;
	s5 =	sadd.s32 s5, s7;
	[dreg:$0x0] =	wrdreg $0x0  }
0xaa: {  	s7 =	sshll.u32 s28, $0x1;
	[dreg:$0x2] =	wrdreg s5  }
0xab: {  	[dreg:$0x3] =	wrdreg s7  }
0xac: {  	[dreg:$0x4] =	wrdreg $0xC0  }
0xad: {  	_ =	task [dreg:s9], $0x5FFFF  }
0xae: {  	[dreg:$0x1] =	wrdreg $0xFFFFFFFF  }
0xaf: {  	[dreg:$0x0] =	wrdreg $0x60  }
0xb0: {  	[dreg:$0x2] =	wrdreg s18  }
0xb1: {  	[dreg:$0x3] =	wrdreg s24  }
0xb2: {  	[dreg:$0x4] =	wrdreg s2  }
0xb3: {  	[dreg:$0x5] =	wrdreg s4  }
0xb4: {  	[dreg:$0x6] =	wrdreg $0x9  }
0xb5: {  	_ =	task.clear_ibuf [dreg:s9], $0x7FFFF;
	_ =	strace $0x90000046  }
0xb6: {  	s29 =	simm.s32 $0x9;
	_ =	strace $0x80000048  }
0xb7: {  	_ =	swait.ge [sflag:s29], $0x1  }
0xb8: {  	[sflag:s29] =	ssyncadd.s32 $0xFFFFFFFF  }
0xb9: {  	_ =	strace $0x90000048  }
0xba: {  	_ =	sfence  }
0xbb: {  	s30 =	sld [smem:$0x0];
	_ =	sdelay $0x2  }
0xbc: {  	s31 =	sshll.u32 s1, $0xD;
	s1 =	sshrl.u32 s1, $0x2  }
0xbd: {  	s3 =	sand.u32 $0x4000, s31;
	s1 =	sadd.s32 s1, s30  }
0xbe: {  	s0 =	sor.u32 s3, s0;
	s1 =	sshll.u32 s1, $0x11  }
0xbf: {  	s0 =	sor.u32 s1, s0  }
0xc0: {  	s0 =	sadd.s32 $0x8F2B, s0  }
0xc1: {  	[sflag:s0] =	ssyncadd.remote.s32 $0x1  }
0xc2: {  	_ =	sfence.sel $0xFFFF  }
0xc3: {  	[dreg:$0x0] =	wrdreg $0xFFFFFFFF;
	(pc) =	sbr.abs _section_cstart, $3  }
0xc4: {  	[dreg:$0x1] =	wrdreg $0xFFFFFFFF  }
0xc5: {  	_ =	task.clear_ibuf [dreg:s9], $0x2FFFF;
	_ =	strace $0x9FFFFFFF  }
0xc6: {  	(tm) =	ssettm $0x7FFFFFFF  }
0xc7: {  	_ =	shalt  }
tec
execute0_lowered:
.L_overlay_start_1:
0x0: {  	(tag) =	ssettag $0x1  }
0x1: {  	s1 =	rddreg [dreg:$0x0]  }
0x2: {  	s2 =	rddreg [dreg:$0x1]  }
0x3: {  	s0 =	srdreg.scid;
	s13 =	rddreg [dreg:$0x2]  }
0x4: {  	s3 =	stileid.u32;
	s4 =	rddreg [dreg:$0x3];
	s6 =	simm.s32 $0x0  }
0x5: {  	s16 =	simm.s32 $0x6;
	s17 =	simm.s32 $0x80;
	s18 =	simm.s32 $0x400  }
0x6: {  	s19 =	simm.s32 $0x7500;
	s0 =	sand.u32 $0x1, s0;
	s3 =	sshll.u32 s3, $0x1  }
0x7: {  	s20 =	simm.s32 $0xEA00;
	s28 =	simm.s32 $0x1A700;
	s3 =	sor.u32 s0, s3  }
0x8: {  	[smem:$0x7FF] =	sst s6;
	s8 =	ssub.s32 $0x2, s0;
	s5 =	smul.u32 $0x34, s3  }
0x9: {  	_ =	strace $0x80000047;
	s0 =	sshll.u32 s0, $0x9;
	s11 =	sshrl.u32 s8, $0x1  }
0xa: {  	s21 =	ssub.s32 s8, s11;
	s3 =	sshrl.u32 s5, $0x6;
	s7 =	sshrl.u32 s5, $0x3  }
0xb: {  	s22 =	sshll.u32 s5, $0x3;
	s8 =	sadd.s32 $0x34, s5;
	s31 =	smax.u32 s21, $0x1  }
0xc: {  	s21 =	simm.s32 $0x18680;
	s9 =	sand.u32 $0x7, s7;
	s10 =	smul.u32 $0x61C000, s3  }
0xd: {  	s7 =	sadd.s32 $0x400, s2;
	s23 =	sand.u32 $0x3E00, s22;
	s12 =	smul.u32 $0xC3800, s9  }
0xe: {  	s3 =	sshll.u32 s3, $0xD;
	[dreg:$0xa] =	wrdreg s31;
	s22 =	simm.s32 $0x4  }
0xf: {  	s11 =	sadd.s32 s13, s23;
	s9 =	sshll.u32 s9, $0xA;
	s10 =	sadd.s32 s10, s12  }
0x10: {  	s23 =	simm.s32 $0x1;
	s3 =	sor.u32 s3, s9;
	s10 =	sor.u32 s0, s10  }
0x11: {  	[dreg:$0x5] =	wrdreg s11;
	s0 =	sor.u32 s0, s3;
	s24 =	sshrl.u32 s10, $0x3  }
0x12: {  	s25 =	sadd.s32 $0x3A800, s10;
	s10 =	sadd.s32 $0x75000, s10;
	s0 =	sshrl.u32 s0, $0x3  }
.Ltmp0:
0x13: {  	s11 =	sadd.s32 s1, s24;
	s26 =	sshrl.u32 s25, $0x3;
	(pc) =	sbr.rel .LBB2_1-.Ltmp0, $4  }
0x14: {  	s30 =	sshrl.u32 s10, $0x3;
	s0 =	sadd.s32 s7, s0;
	[dreg:$0x6] =	wrdreg s11  }
0x15: {  	s24 =	simm.s32 $0x2;
	s29 =	sadd.s32 s1, s26;
	[dreg:$0x9] =	wrdreg s0  }
0x16: {  	s25 =	simm.s32 $0x3;
	s3 =	sadd.s32 s1, s30;
	[dreg:$0x7] =	wrdreg s29  }
0x17: {  	v0 =	vlaneseq.u32;
	s26 =	simm.s32 $0x19700;
	[dreg:$0x8] =	wrdreg s3;
	s3 =	simm.s32 $0x0  }
.LBB2_16:
0x18: {  	_ =	swait.ge [sflag:s22], $0x1000  }
0x19: {  	[sflag:s22] =	ssyncset.done $0x0  }
0x1a: {  	s2 =	simm.s32 $0x5;
	[sflag:s22] =	ssyncadd.s32 $0xFFFFF000  }
0x1b: {  	_ =	swait.ge [sflag:s2], $0x1000  }
0x1c: {  	s3 =	rddreg [dreg:$0xb]  }
0x1d: {  	s0 =	rddreg [dreg:$0xa];
	s3 =	sadd.s32 $0x1, s3  }
0x1e: {  	p0 =	sne.s32 s3, s0  }
.Ltmp1:
0x1f: {  	_ = 	snop;
	(pc) =	sbr.rel @!p0 .LBB2_17-.Ltmp1, $3  }
0x20: {  	_ =	sdelay $0x1  }
0x21: {  	[sflag:s2] =	ssyncset.done $0x0  }
0x22: {  	[sflag:s2] =	ssyncadd.s32 $0xFFFFF000  }
.LBB2_1:
0x23: {  	[dreg:$0xb] =	wrdreg s3  }
0x24: {  	s0 =	rddreg [dreg:$0x5];
	s2 =	simm.s32 $0x18700  }
0x25: {  	[tilespmem:s2], [sflag:$0x6] =	stream.linear.gather [hbm4b:s0+s6], $0x1000, $0x38;
	[tilespmem:$0x1B700] =	vst v63  }
0x26: {  	_ =	swait.ge [sflag:s16], $0x1000  }
0x27: {  	[sflag:s16] =	ssyncset.done $0x0  }
0x28: {  	s14 =	rddreg [dreg:$0x6];
	[sflag:s16] =	ssyncadd.s32 $0xFFFFF000  }
0x29: {  	[tilespmem:s6], [sflag:$0x1] =	stream.strided.gather [hbm4b:s14+s17], $0x7500, s18, s17, $0x38;
	[tilespmem:$0x1B700] =	vst v63  }
0x2a: {  	s15 =	rddreg [dreg:$0x7]  }
0x2b: {  	[tilespmem:s19], [sflag:$0x2] =	stream.strided.gather [hbm4b:s15+s17], $0x7500, s18, s17, $0x38;
	[tilespmem:$0x1B700] =	vst v63  }
0x2c: {  	s29 =	rddreg [dreg:$0x8]  }
0x2d: {  	[tilespmem:s20], [sflag:$0x3] =	stream.strided.gather [hbm4b:s29+s17], $0x9C80, s18, s17, $0x38;
	[tilespmem:$0x1B700] =	vst v63  }
0x2e: {  	s31 =	simm.s32 $0x0;
	s30 =	rddreg [dreg:$0x9]  }
0x2f: {  	[tilespmem:s21], [sflag:$0x3] =	stream.linear.gather [hbm4b:s30+s6], $0x80, $0x38;
	[tilespmem:$0x1B700] =	vst v63  }
.LBB2_2:
0x30: {  	s0 =	sshll.u32 s31, $0x1  }
0x31: {  	s2 =	sadd.s32 s5, s0  }
0x32: {  	p0 =	seq.s32 s31, $0x0;
	s9 =	sand.u32 $0x3E, s2  }
0x33: {  	p1 =	sne.s32 @!p0 s9, $0x0  }
0x34: {  	p1 =	por p0, p1  }
.Ltmp2:
0x35: {  	_ = 	snop;
	(pc) =	sbr.rel @p1 .LBB2_5-.Ltmp2, $2  }
0x36: {  	_ =	sdelay $0x2  }
0x37: {  	s10 =	sshrl.u32 s2, $0x6  }
0x38: {  	s0 =	sshll.u32 s10, $0x9  }
0x39: {  	s3 =	rddreg [dreg:$0x2];
	s0 =	sand.u32 $0x1FFFFE00, s0  }
.Ltmp3:
0x3a: {  	s30 =	simm.s32 $0x18700;
	s0 =	sadd.s32 s3, s0;
	(pc) =	sbr.rel .LBB2_4-.Ltmp3, $4  }
0x3b: {  	[tilespmem:s30], [sflag:$0x6] =	stream.linear.gather [hbm4b:s0+s6], $0x1000, $0x38;
	[tilespmem:$0x1B700] =	vst v63  }
0x3c: {  	_ =	swait.ge [sflag:s16], $0x1000  }
0x3d: {  	[sflag:s16] =	ssyncset.done $0x0  }
0x3e: {  	[sflag:s16] =	ssyncadd.s32 $0xFFFFF000  }
.LBB2_5:
.Ltmp4:
0x3f: {  	(pc) =	sbr.rel @p0 .LBB2_6-.Ltmp4, $1  }
0x40: {  	_ =	sdelay $0x3  }
.LBB2_4:
0x41: {  	_ =	swait.ge [sflag:s22], $0x1000  }
0x42: {  	[sflag:s22] =	ssyncset.done $0x0  }
0x43: {  	p0 =	por $0x0, $0x0;
	[sflag:s22] =	ssyncadd.s32 $0xFFFFF000  }
.LBB2_7:
0x44: {  	_ =	swait.ge [sflag:s23], $0x7500  }
0x45: {  	[sflag:s23] =	ssyncset.done $0x0  }
0x46: {  	[sflag:s23] =	ssyncadd.s32 $0xFFFF8B00  }
0x47: {  	_ =	swait.ge [sflag:s24], $0x7500  }
0x48: {  	[sflag:s24] =	ssyncset.done $0x0  }
0x49: {  	s11 =	simm.s32 $0x0;
	[sflag:s24] =	ssyncadd.s32 $0xFFFF8B00  }
0x4a: {  	v2 =	vld [tilespmem:s11+$0x18700];
	_ =	sdelay $0x4  }
0x4b: {  	vm0 =	vlt.s32 v2, $0x7500;
	vm1 =	vlt.s32 v2, $0xEA00  }
0x4c: {  	vm2 =	vmxor vm1, vm0  }
0x4d: {  	s0 =	simm.s32 $0x10;
	v3 =	vadd.s32 $0xFFFF8B00, v2  }
0x4e: {  	v1 =	vld [tilespmem:s0+$0x18700];
	_ =	sdelay $0x2  }
0x4f: {  	v2 =	vld.idx.msk [tilespmem:v2+s6+$0x0], vm0  }
0x50: {  	v4 =	vld.idx.msk [tilespmem:v3+s19+$0x0], vm2  }
0x51: {  	vm4 =	vlt.s32 v1, $0xEA00;
	vm2 =	vmmov vm1;
	vm1 =	vlt.s32 v1, $0x7500  }
0x52: {  	vm3 =	vmxor vm4, vm1  }
0x53: {  	v3 =	vadd.s32 $0xFFFF8B00, v1  }
0x54: {  	vm0 =	vmmov vm0  }
0x55: {  	s29 =	simm.s32 $0x20;
	v4 =	vsel vm0, v2, v4  }
0x56: {  	s12 =	simm.s32 $0xC0;
	vm0 =	vmmov vm1;
	v2 =	vld [tilespmem:s29+$0x18700];
	v4 =	vnsel vm2, $0x0, v4;
	vm2 =	vmmov vm4  }
.LBB2_8:
0x57: {  	p1 =	sne.s32 s12, $0x3FC0;
	[tilespmem:s11+$0x19700] =	vst v4;
	s11 =	smov.u32 s0;
	s0 =	smov.u32 s29  }
0x58: {  	v4 =	vld.idx.msk [tilespmem:v3+s19+$0x0], vm3  }
0x59: {  	v5 =	vld.idx.msk [tilespmem:v1+s6+$0x0], vm1;
	_ =	sdelay $0x1  }
0x5a: {  	vm1 =	vlt.s32 v2, $0x7500;
	vm4 =	vlt.s32 v2, $0xEA00;
	v1 =	vmov v2  }
.Ltmp5:
0x5b: {  	vm3 =	vmxor vm4, vm1;
	(pc) =	sbr.rel @p1 .LBB2_8-.Ltmp5, $3  }
0x5c: {  	v3 =	vadd.s32 $0xFFFF8B00, v1;
	_ =	sdelay $0x1  }
0x5d: {  	s29 =	sshra.s32 s12, $0x2;
	v4 =	vsel vm0, v5, v4;
	vm0 =	vmmov vm1  }
0x5e: {  	s12 =	sadd.s32 $0x40, s12;
	v4 =	vnsel vm2, $0x0, v4;
	vm2 =	vmmov vm4;
	v2 =	vld [tilespmem:s29+$0x18700]  }
0x5f: {  	_ =	sdelay $0x3  }
0x60: {  	[tilespmem:s11+$0x19700] =	vst v4  }
0x61: {  	v3 =	vld.idx.msk [tilespmem:v3+s19+$0x0], vm3  }
0x62: {  	v1 =	vld.idx.msk [tilespmem:v1+s6+$0x0], vm1;
	_ =	sdelay $0x1  }
0x63: {  	vm12 =	vlt.s32 v2, $0x7500;
	vm13 =	vlt.s32 v2, $0xEA00  }
0x64: {  	vm4 =	vmxor vm13, vm12  }
0x65: {  	v63 =	vadd.s32 $0xFFFF8B00, v2  }
0x66: {  	v1 =	vsel vm0, v1, v3  }
0x67: {  	v1 =	vnsel vm2, $0x0, v1  }
0x68: {  	[tilespmem:s0+$0x19700] =	vst v1  }
0x69: {  	v2 =	vld.idx.msk [tilespmem:v2+s6+$0x0], vm12  }
0x6a: {  	s15 =	sshrl.u32 s2, $0x3;
	v1 =	vld.idx.msk [tilespmem:v63+s19+$0x0], vm4  }
0x6b: {  	s13 =	smul.u32 $0x61C000, s10;
	s11 =	sand.u32 $0x7, s15  }
0x6c: {  	s14 =	smul.u32 $0xC3800, s11;
	s0 =	sor.u32 $0x1, s2  }
0x6d: {  	s3 =	sshll.u32 s0, $0x7  }
0x6e: {  	s30 =	sadd.s32 s13, s14;
	vm14 =	vmmov vm12;
	s12 =	sand.u32 $0x380, s3  }
0x6f: {  	vm15 =	vmmov vm13;
	s3 =	sor.u32 s12, s30;
	v1 =	vsel vm14, v2, v1  }
0x70: {  	s30 =	sshrl.u32 s3, $0x3;
	s3 =	sadd.s32 $0x3A800, s3;
	v1 =	vnsel vm15, $0x0, v1  }
0x71: {  	s30 =	sadd.s32 s1, s30;
	s3 =	sshrl.u32 s3, $0x3;
	[tilespmem:s29+$0x19700] =	vst v1;
	s29 =	simm.s32 $0x0  }
0x72: {  	[tilespmem:s29], [sflag:$0x1] =	stream.strided.gather [hbm4b:s30+s17], $0x7500, s18, s17, $0x38;
	[tilespmem:$0x1B700] =	vst v63  }
0x73: {  	s3 =	sadd.s32 s1, s3  }
0x74: {  	[tilespmem:s19], [sflag:$0x2] =	stream.strided.gather [hbm4b:s3+s17], $0x7500, s18, s17, $0x38;
	[tilespmem:$0x1B700] =	vst v63  }
0x75: {  	_ =	swait.ge [sflag:s25], $0x9C80  }
0x76: {  	[sflag:s25] =	ssyncset.done $0x0  }
0x77: {  	[sflag:s25] =	ssyncadd.s32 $0xFFFF6380  }
0x78: {  	_ =	swait.ge [sflag:s25], $0x80  }
0x79: {  	[sflag:s25] =	ssyncset.done $0x0  }
0x7a: {  	s30 =	simm.s32 $0x18700;
	[sflag:s25] =	ssyncadd.s32 $0xFFFFFF80  }
0x7b: {  	s3 =	simm.s32 $0x10;
	v1 =	vld [tilespmem:s30+$0x0]  }
.LBB2_10:
0x7c: {  	p1 =	sne.s32 s3, $0xFF0;
	_ =	sdelay $0x3  }
0x7d: {  	vm0 =	vgt.s32 v1, $0xE9FF  }
0x7e: {  	v1 =	vadd.s32 $0xFFFF1600, v1;
	_ =	sdelay $0x4  }
0x7f: {  	v1 =	vld.idx.msk [tilespmem:v1+s20+$0x0], vm0  }
0x80: {  	v2 =	vor.u32 s29, v0;
	s29 =	smov.u32 s3;
	_ =	sdelay $0x1  }
.Ltmp6:
0x81: {  	(pc) =	sbr.rel @p1 .LBB2_10-.Ltmp6, $3  }
0x82: {  	_ =	sdelay $0x1  }
0x83: {  	s30 =	sadd.s32 $0x10, s30;
	[tilespmem:v2+s26+$0x0] =	vst.idx.msk vm0, v1  }
0x84: {  	s3 =	sadd.s32 $0x10, s3;
	v1 =	vld [tilespmem:s30+$0x0]  }
0x85: {  	_ =	sdelay $0x3  }
0x86: {  	vm0 =	vgt.s32 v1, $0xE9FF  }
0x87: {  	v1 =	vadd.s32 $0xFFFF1600, v1;
	_ =	sdelay $0x4  }
0x88: {  	v2 =	vor.u32 s29, v0;
	v1 =	vld.idx.msk [tilespmem:v1+s20+$0x0], vm0  }
0x89: {  	s3 =	sadd.s32 s14, s13  }
0x8a: {  	s3 =	sadd.s32 s12, s3  }
0x8b: {  	s3 =	sadd.s32 $0x75000, s3  }
0x8c: {  	s3 =	sshrl.u32 s3, $0x3  }
0x8d: {  	s15 =	sshll.u32 s10, $0xD;
	s11 =	sshll.u32 s11, $0xA;
	s3 =	sadd.s32 s1, s3;
	[tilespmem:v2+s26+$0x0] =	vst.idx.msk vm0, v1  }
0x8e: {  	[tilespmem:s20], [sflag:$0x3] =	stream.strided.gather [hbm4b:s3+s17], $0x9C80, s18, s17, $0x38;
	[tilespmem:$0x1B700] =	vst v63  }
0x8f: {  	s3 =	sor.u32 s15, s11  }
0x90: {  	s3 =	sor.u32 s12, s3  }
0x91: {  	s3 =	sshrl.u32 s3, $0x3  }
0x92: {  	s29 =	sshll.u32 s10, $0xF;
	s30 =	sshll.u32 s2, $0x4;
	s3 =	sadd.s32 s7, s3  }
0x93: {  	[tilespmem:s21], [sflag:$0x3] =	stream.linear.gather [hbm4b:s3+s6], $0x80, $0x38;
	[tilespmem:$0x1B700] =	vst v63  }
0x94: {  	s9 =	sshll.u32 s9, $0x9;
	s10 =	sand.u32 $0x60, s30;
	s3 =	sadd.s32 s4, s29  }
0x95: {  	s9 =	sand.u32 $0x7000, s9;
	s3 =	sadd.s32 s10, s3  }
0x96: {  	s3 =	sadd.s32 s9, s3  }
0x97: {  	[hbm4b:s3+s17] =	stream.strided.scatter [tilespmem:s26], [sflag:$0x4], $0x1000, s18, s17, $0x38;
	[tilespmem:$0x1B700] =	vst v63  }
0x98: {  	s3 =	simm.s32 @!p0 $0x5  }
0x99: {  	_ =	swait.ge @!p0 [sflag:s3], $0x1000  }
0x9a: {  	[sflag:s3] =	ssyncset.done @!p0 $0x0  }
0x9b: {  	[sflag:s3] =	ssyncadd.s32 @!p0 $0xFFFFF000  }
0x9c: {  	_ =	swait.ge [sflag:s23], $0x7500  }
0x9d: {  	[sflag:s23] =	ssyncset.done $0x0  }
0x9e: {  	[sflag:s23] =	ssyncadd.s32 $0xFFFF8B00  }
0x9f: {  	_ =	swait.ge [sflag:s24], $0x7500  }
0xa0: {  	[sflag:s24] =	ssyncset.done $0x0  }
0xa1: {  	s10 =	simm.s32 $0x0;
	[sflag:s24] =	ssyncadd.s32 $0xFFFF8B00  }
0xa2: {  	v2 =	vld [tilespmem:s10+$0x18700];
	_ =	sdelay $0x4  }
0xa3: {  	vm0 =	vlt.s32 v2, $0x7500;
	vm1 =	vlt.s32 v2, $0xEA00  }
0xa4: {  	vm2 =	vmxor vm1, vm0  }
0xa5: {  	s9 =	simm.s32 $0x10;
	v3 =	vadd.s32 $0xFFFF8B00, v2  }
0xa6: {  	v1 =	vld [tilespmem:s9+$0x18700];
	_ =	sdelay $0x2  }
0xa7: {  	v2 =	vld.idx.msk [tilespmem:v2+s6+$0x0], vm0  }
0xa8: {  	v4 =	vld.idx.msk [tilespmem:v3+s19+$0x0], vm2  }
0xa9: {  	vm4 =	vlt.s32 v1, $0xEA00;
	vm2 =	vmmov vm1;
	vm1 =	vlt.s32 v1, $0x7500  }
0xaa: {  	vm3 =	vmxor vm4, vm1  }
0xab: {  	v3 =	vadd.s32 $0xFFFF8B00, v1  }
0xac: {  	vm0 =	vmmov vm0  }
0xad: {  	s14 =	simm.s32 $0x20;
	v4 =	vsel vm0, v2, v4  }
0xae: {  	s11 =	simm.s32 $0xC0;
	vm0 =	vmmov vm1;
	v2 =	vld [tilespmem:s14+$0x18700];
	v4 =	vnsel vm2, $0x0, v4;
	vm2 =	vmmov vm4  }
.LBB2_12:
0xaf: {  	p0 =	sne.s32 s11, $0x3FC0;
	[tilespmem:s10+$0x1A700] =	vst v4;
	s10 =	smov.u32 s9;
	s9 =	smov.u32 s14  }
0xb0: {  	v4 =	vld.idx.msk [tilespmem:v3+s19+$0x0], vm3  }
0xb1: {  	v5 =	vld.idx.msk [tilespmem:v1+s6+$0x0], vm1;
	_ =	sdelay $0x1  }
0xb2: {  	vm1 =	vlt.s32 v2, $0x7500;
	vm4 =	vlt.s32 v2, $0xEA00;
	v1 =	vmov v2  }
.Ltmp7:
0xb3: {  	vm3 =	vmxor vm4, vm1;
	(pc) =	sbr.rel @p0 .LBB2_12-.Ltmp7, $3  }
0xb4: {  	v3 =	vadd.s32 $0xFFFF8B00, v1;
	_ =	sdelay $0x1  }
0xb5: {  	s14 =	sshra.s32 s11, $0x2;
	v4 =	vsel vm0, v5, v4;
	vm0 =	vmmov vm1  }
0xb6: {  	s11 =	sadd.s32 $0x40, s11;
	v4 =	vnsel vm2, $0x0, v4;
	vm2 =	vmmov vm4;
	v2 =	vld [tilespmem:s14+$0x18700]  }
0xb7: {  	_ =	sdelay $0x3  }
0xb8: {  	[tilespmem:s10+$0x1A700] =	vst v4  }
0xb9: {  	v3 =	vld.idx.msk [tilespmem:v3+s19+$0x0], vm3  }
0xba: {  	v1 =	vld.idx.msk [tilespmem:v1+s6+$0x0], vm1;
	_ =	sdelay $0x1  }
0xbb: {  	vm12 =	vlt.s32 v2, $0x7500;
	vm13 =	vlt.s32 v2, $0xEA00  }
0xbc: {  	vm4 =	vmxor vm13, vm12  }
0xbd: {  	v63 =	vadd.s32 $0xFFFF8B00, v2  }
0xbe: {  	v1 =	vsel vm0, v1, v3  }
0xbf: {  	s3 =	sadd.s32 $0x2, s2;
	v1 =	vnsel vm2, $0x0, v1  }
0xc0: {  	p0 =	sge.u32 s3, s8;
	[tilespmem:s9+$0x1A700] =	vst v1  }
0xc1: {  	s10 =	sshrl.u32 @!p0 s3, $0x3;
	v2 =	vld.idx.msk [tilespmem:v2+s6+$0x0], vm12  }
0xc2: {  	s10 =	sand.u32 @!p0 $0x7, s10;
	v1 =	vld.idx.msk [tilespmem:v63+s19+$0x0], vm4  }
0xc3: {  	s13 =	smul.u32 @!p0 $0xC3800, s10;
	s9 =	sshrl.u32 @!p0 s3, $0x6  }
0xc4: {  	s12 =	smul.u32 @!p0 $0x61C000, s9  }
0xc5: {  	s3 =	sshll.u32 @!p0 s3, $0x7  }
0xc6: {  	vm14 =	vmmov vm12;
	s11 =	sand.u32 @!p0 $0x300, s3;
	s29 =	sadd.s32 @!p0 s12, s13  }
0xc7: {  	s30 =	simm.s32 @!p0 $0x400;
	vm15 =	vmmov vm13;
	s3 =	sor.u32 @!p0 s11, s29;
	v1 =	vsel vm14, v2, v1  }
0xc8: {  	s15 =	simm.s32 @!p0 $0x0;
	s29 =	sshrl.u32 @!p0 s3, $0x3;
	s3 =	sadd.s32 @!p0 $0x3A800, s3;
	v1 =	vnsel vm15, $0x0, v1  }
0xc9: {  	s29 =	sadd.s32 @!p0 s1, s29;
	s3 =	sshrl.u32 @!p0 s3, $0x3;
	[tilespmem:s14+$0x1A700] =	vst v1;
	s14 =	simm.s32 @!p0 $0x80  }
0xca: {  	[tilespmem:s15], [sflag:$0x1] =	stream.strided.gather @!p0 [hbm4b:s29+s14], $0x7500, s30, s14, $0x38;
	[tilespmem:$0x1B700] =	vst v63  }
0xcb: {  	s3 =	sadd.s32 @!p0 s1, s3;
	s15 =	simm.s32 @!p0 $0x7500  }
0xcc: {  	[tilespmem:s15], [sflag:$0x2] =	stream.strided.gather @!p0 [hbm4b:s3+s14], $0x7500, s30, s14, $0x38;
	[tilespmem:$0x1B700] =	vst v63  }
0xcd: {  	_ =	swait.ge [sflag:s25], $0x9C80  }
0xce: {  	[sflag:s25] =	ssyncset.done $0x0  }
0xcf: {  	[sflag:s25] =	ssyncadd.s32 $0xFFFF6380  }
0xd0: {  	_ =	swait.ge [sflag:s25], $0x80  }
0xd1: {  	[sflag:s25] =	ssyncset.done $0x0  }
0xd2: {  	s29 =	simm.s32 $0x18700;
	[sflag:s25] =	ssyncadd.s32 $0xFFFFFF80  }
0xd3: {  	s14 =	simm.s32 $0x0;
	s3 =	simm.s32 $0x10;
	v1 =	vld [tilespmem:s29+$0x0]  }
.LBB2_14:
0xd4: {  	p1 =	sne.s32 s3, $0xFF0;
	_ =	sdelay $0x3  }
0xd5: {  	vm0 =	vgt.s32 v1, $0xE9FF  }
0xd6: {  	v1 =	vadd.s32 $0xFFFF1600, v1;
	_ =	sdelay $0x4  }
0xd7: {  	v1 =	vld.idx.msk [tilespmem:v1+s20+$0x0], vm0  }
0xd8: {  	v2 =	vor.u32 s14, v0;
	s14 =	smov.u32 s3;
	_ =	sdelay $0x1  }
.Ltmp8:
0xd9: {  	(pc) =	sbr.rel @p1 .LBB2_14-.Ltmp8, $3  }
0xda: {  	_ =	sdelay $0x1  }
0xdb: {  	s29 =	sadd.s32 $0x10, s29;
	[tilespmem:v2+s28+$0x0] =	vst.idx.msk vm0, v1  }
0xdc: {  	s3 =	sadd.s32 $0x10, s3;
	v1 =	vld [tilespmem:s29+$0x0]  }
0xdd: {  	_ =	sdelay $0x3  }
0xde: {  	vm0 =	vgt.s32 v1, $0xE9FF  }
0xdf: {  	v1 =	vadd.s32 $0xFFFF1600, v1;
	_ =	sdelay $0x4  }
0xe0: {  	v2 =	vor.u32 s14, v0;
	v1 =	vld.idx.msk [tilespmem:v1+s20+$0x0], vm0  }
0xe1: {  	s3 =	sor.u32 @!p0 s11, s12  }
0xe2: {  	s3 =	sadd.s32 @!p0 s13, s3  }
0xe3: {  	s3 =	sadd.s32 @!p0 $0x75000, s3  }
0xe4: {  	s12 =	simm.s32 @!p0 $0x80;
	s3 =	sshrl.u32 @!p0 s3, $0x3  }
0xe5: {  	s14 =	simm.s32 @!p0 $0xEA00;
	s13 =	simm.s32 @!p0 $0x400;
	s3 =	sadd.s32 @!p0 s1, s3;
	[tilespmem:v2+s28+$0x0] =	vst.idx.msk vm0, v1  }
0xe6: {  	[tilespmem:s14], [sflag:$0x3] =	stream.strided.gather @!p0 [hbm4b:s3+s12], $0x9C80, s13, s12, $0x38;
	[tilespmem:$0x1B700] =	vst v63  }
0xe7: {  	s3 =	sshll.u32 @!p0 s9, $0xD;
	s9 =	sshll.u32 @!p0 s10, $0xA  }
0xe8: {  	s3 =	sor.u32 @!p0 s3, s9  }
0xe9: {  	s3 =	sor.u32 @!p0 s11, s3  }
0xea: {  	s31 =	sadd.s32 $0x1, s31;
	s3 =	sshrl.u32 @!p0 s3, $0x3  }
0xeb: {  	s10 =	simm.s32 @!p0 $0x18680;
	s9 =	simm.s32 @!p0 $0x0;
	s3 =	sadd.s32 @!p0 s7, s3  }
0xec: {  	[tilespmem:s10], [sflag:$0x3] =	stream.linear.gather @!p0 [hbm4b:s3+s9], $0x80, $0x38;
	[tilespmem:$0x1B700] =	vst v63  }
0xed: {  	p0 =	sne.s32 s31, $0x1A  }
.Ltmp9:
0xee: {  	s2 =	sshll.u32 s2, $0x9;
	(pc) =	sbr.rel @p0 .LBB2_2-.Ltmp9, $4  }
.Ltmp10:
0xef: {  	s0 =	sshll.u32 s0, $0x4;
	s2 =	sand.u32 $0xFFFF000, s2;
	(pc) =	sbr.rel @!p0 .LBB2_16-.Ltmp10, $4  }
0xf0: {  	s0 =	sand.u32 $0x70, s0;
	s2 =	sadd.s32 s4, s2  }
0xf1: {  	s0 =	sadd.s32 s0, s2  }
0xf2: {  	[hbm4b:s0+s17] =	stream.strided.scatter [tilespmem:s28], [sflag:$0x5], $0x1000, s18, s17, $0x38;
	[tilespmem:$0x1B700] =	vst v63  }
0xf3: {  	_ = 	snop  }
.LBB2_6:
.Ltmp11:
0xf4: {  	(pc) =	sbr.rel .LBB2_7-.Ltmp11, $2  }
0xf5: {  	_ =	sdelay $0x2  }
0xf6: {  	p0 =	por $0x1, $0x1  }
.LBB2_17:
0xf7: {  	_ =	sfence.sel $0x180000  }
0xf8: {  	[bflag:$0x0] =	sbarrier.arrive $0xFFFF  }
0xf9: {  	_ =	strace $0x90000047  }
0xfa: {  	s0 =	stileid.u32;
	[bflag:$0x2] =	sbarrier.arrive $0xFFFF  }
0xfb: {  	p0 =	sne.s32 s0, $0x0;
	s0 =	rddreg [dreg:$0x4]  }
0xfc: {  	s0 =	sadd.s32 @!p0 $0x100000, s0  }
0xfd: {  	[sflag:s0] =	ssyncadd.tile.s32 @!p0 $0x1;
	_ =	shalt  }
.Lfunc_end2:
_tile_overlayer_lowered:
.L_overlay_start_2:
0xfe: {  	(tag) =	ssettag $0x2  }
0xff: {  	s0 =	rddreg [dreg:$0x0];
	s2 =	stileid.u32  }
0x100: {  	s1 =	rddreg [dreg:$0x1];
	p0 =	sne.s32 s2, $0x0  }
0x101: {  	s3 =	rddreg [dreg:$0x2];
	[bflag:$0x3] =	sbarrier.arrive $0xFFFF;
	s2 =	simm.s32 @!p0 $0x1C06  }
0x102: {  	[timem:s3], [sflag:s2] =	dma.local @!p0 [hbm:s0], s1  }
0x103: {  	s0 =	simm.s32 @!p0 $0x6  }
0x104: {  	_ =	swait.ge @!p0 [sflag:s0], s1  }
0x105: {  	s1 =	ssub.s32 @!p0 $0x0, s1;
	[sflag:s0] =	ssyncset.done @!p0 $0x0  }
0x106: {  	[sflag:s0] =	ssyncadd.s32 @!p0 s1  }
0x107: {  	[bflag:$0x3] =	sbarrier.arrive $0xFFFF  }
0x108: {  	_ =	shalt  }

</sc_bundles>
